<compile_context>
chip_gen: v7x
topology: tpu7x:2x2x1
jax: 0.10.2.dev20260603
libtpu: 0.0.44.dev20260713+nightly
codegen_flags: <defaults>
</compile_context>

<pallas_src>
import jax
import jax.numpy as jnp
import numpy as np
from jax.experimental import pallas as pl
from jax.experimental.pallas import tpu as pltpu

H, W = 256, 512
HW = H * W
BLK = 2048
NB = HW // BLK


def _maps_kernel(env_ref, dir_ref, rn_ref, intb_ref, mod_ref):
    e = env_ref[...]
    inten = jnp.sqrt(e[0:1, :] ** 2 + e[1:2, :] ** 2 + e[2:3, :] ** 2)
    d = dir_ref[...]
    rn = rn_ref[...]
    mod = rn[:, 0:1] * d[0:1, :] + rn[:, 1:2] * d[1:2, :] + rn[:, 2:3] * d[2:3, :]
    mod = jnp.clip(mod, 0.0, 1.0)
    intb_ref[...] = jnp.broadcast_to(inten, intb_ref.shape)
    mod_ref[...] = mod


def _sample_kernel(cs_ref, norm_ref, mod_ref, ps_ref,
                   choice_ref, qcap_ref, mcap_ref):
    j = pl.program_id(0)
    npr, blk = cs_ref.shape
    nsr = ps_ref.shape[1]

    @pl.when(j == 0)
    def _():
        choice_ref[...] = jnp.full(choice_ref.shape, HW, jnp.int32)
        qcap_ref[...] = jnp.zeros_like(qcap_ref)
        mcap_ref[...] = jnp.zeros_like(mcap_ref)

    cs = cs_ref[...]
    norm = norm_ref[...]
    mod = mod_ref[...]
    ps = ps_ref[...]
    lidx = jax.lax.broadcasted_iota(jnp.int32, (npr, blk), 1)
    base = j * blk
    for s in range(nsr):
        pss = ps[:, s:s + 1]
        gt = cs > pss
        cand = jnp.min(jnp.where(gt, lidx, HW), axis=1, keepdims=True)
        not_found = choice_ref[:, s:s + 1] >= HW
        hit_here = not_found & (cand < HW)
        onehot = hit_here & (lidx == cand)
        qv = jnp.sum(jnp.where(onehot, norm, 0.0), axis=1, keepdims=True)
        mv = jnp.sum(jnp.where(onehot, mod, 0.0), axis=1, keepdims=True)
        choice_ref[:, s:s + 1] = jnp.where(hit_here, base + cand,
                                           choice_ref[:, s:s + 1])
        qcap_ref[:, s:s + 1] += qv
        mcap_ref[:, s:s + 1] += mv


def kernel(env_idxs, normal, ps_samples, envs, direction_map):
    npr = normal.shape[0]
    nsr = ps_samples.shape[1]
    rot = jnp.array([[1.0, 0.0, 0.0], [0.0, 0.0, -1.0], [0.0, -1.0, 0.0]],
                    dtype=jnp.float32)
    rotz = jnp.eye(3, dtype=jnp.float32)
    rn = (rotz @ rot @ normal.T).T
    env3 = envs.reshape(HW, 3).T
    dir3 = direction_map.reshape(HW, 3).T
    ps = ps_samples.reshape(npr, nsr)

    intb, modout = pl.pallas_call(
        _maps_kernel,
        grid=(NB,),
        in_specs=[
            pl.BlockSpec((3, BLK), lambda j: (0, j)),
            pl.BlockSpec((3, BLK), lambda j: (0, j)),
            pl.BlockSpec((npr, 3), lambda j: (0, 0)),
        ],
        out_specs=[
            pl.BlockSpec((npr, BLK), lambda j: (0, j)),
            pl.BlockSpec((npr, BLK), lambda j: (0, j)),
        ],
        out_shape=[
            jax.ShapeDtypeStruct((npr, HW), jnp.float32),
            jax.ShapeDtypeStruct((npr, HW), jnp.float32),
        ],
    )(env3, dir3, rn)

    dir_flat = direction_map.reshape(-1, 3)[None, ...]
    mod_x = jnp.clip(jnp.sum(dir_flat * rn[:, None, :], axis=-1).reshape(npr, -1),
                     0.0, 1.0)
    int_x = jnp.linalg.norm(envs, axis=3).reshape(envs.shape[0], -1)
    int_x = jnp.take(int_x, env_idxs, axis=0)
    mul_x = int_x * mod_x
    normout = mul_x / jnp.sum(mul_x, axis=1, keepdims=True)
    cs = jnp.cumsum(normout, axis=1)

    choices, qcap, mcap = pl.pallas_call(
        _sample_kernel,
        grid=(NB,),
        in_specs=[
            pl.BlockSpec((npr, BLK), lambda j: (0, j)),
            pl.BlockSpec((npr, BLK), lambda j: (0, j)),
            pl.BlockSpec((npr, BLK), lambda j: (0, j)),
            pl.BlockSpec((npr, nsr), lambda j: (0, 0)),
        ],
        out_specs=[
            pl.BlockSpec((npr, nsr), lambda j: (0, 0)),
            pl.BlockSpec((npr, nsr), lambda j: (0, 0)),
            pl.BlockSpec((npr, nsr), lambda j: (0, 0)),
        ],
        out_shape=[
            jax.ShapeDtypeStruct((npr, nsr), jnp.int32),
            jax.ShapeDtypeStruct((npr, nsr), jnp.float32),
            jax.ShapeDtypeStruct((npr, nsr), jnp.float32),
        ],
    )(cs, normout, modout, ps)

    over = choices >= HW
    choices = jnp.where(over, 0, choices)
    q = jnp.where(over, normout[:, 0:1], qcap)
    m = jnp.where(over, modout[:, 0:1], mcap)
    sampled_qx = q + 1e-7
    px = 2.0 / (H * W)
    ratio = (px * m) / sampled_qx
    Vs = (choices // W).astype(jnp.int64)
    Us = choices % W
    return (Vs, Us, ratio, intb, modout, normout)

# --- scband reference (transcript-rebuilt; emitter-appended) ---
"""Pipeline reference for scband-importance-hdri-light-71880572666338 (READ-ONLY COPY).

The authoritative reference and input builder live on the scoring server;
editing this copy changes nothing except your own understanding.
"""

import jax, jax.numpy as jnp
import numpy as np

H, W = 256, 512
NUM_ENVS = 1
NSR = 2
NPR = 256
HDRI_ANGLE = 0.0
EXPOSURE = 1.5


def _make_direction_map():
    v = jnp.arange(H, dtype=jnp.float32) / H
    u = jnp.arange(W, dtype=jnp.float32) / W
    uu, vv = jnp.meshgrid(u, v)  # [H, W]
    phi = 2.0 * np.pi * uu - np.pi
    theta = np.pi * vv
    st = jnp.sin(theta)
    return jnp.stack([st * jnp.cos(phi), st * jnp.sin(phi), jnp.cos(theta)], axis=-1)


def setup_inputs(seed: int = 0) -> dict:
    key = jax.random.key(seed)
    k1, k2, k3, k4 = jax.random.split(key, 4)
    env_idxs = jax.random.randint(k1, (NPR,), 0, NUM_ENVS)
    normal = jax.random.normal(k2, (NPR, 3), dtype=jnp.float32)
    ps_samples = jax.random.uniform(k3, (NPR, NSR, 1), dtype=jnp.float32)
    # learned/buffer params: blurred env maps (exposure applied) and direction map
    envs = EXPOSURE * jax.random.uniform(k4, (NUM_ENVS, H, W, 3), dtype=jnp.float32)
    direction_map = _make_direction_map()
    return {"env_idxs": env_idxs, "normal": normal, "ps_samples": ps_samples,
            "envs": envs, "direction_map": direction_map}


def reference(env_idxs, normal, ps_samples, envs, direction_map):
    npr = normal.shape[0]
    rot = jnp.array([[1.0, 0.0, 0.0], [0.0, 0.0, -1.0], [0.0, -1.0, 0.0]], dtype=jnp.float32)
    rad = HDRI_ANGLE * np.pi / 180.0
    rotz = jnp.array([[np.cos(rad), np.sin(rad), 0.0],
                      [-np.sin(rad), np.cos(rad), 0.0],
                      [0.0, 0.0, 1.0]], dtype=jnp.float32)
    normal_batched = (rotz @ rot @ normal.T).T[:, None, :]  # [npr, 1, 3]
    envs_intensities = jnp.linalg.norm(envs, axis=3).reshape(envs.shape[0], -1)  # [E, HW]
    envs_intensities_batch = jnp.take(envs_intensities, env_idxs, axis=0)  # [npr, HW]
    dir_map_flat = direction_map.reshape(-1, 3)[None, ...]  # [1, HW, 3]
    diffuse_modulation = jnp.sum(dir_map_flat * normal_batched, axis=-1).reshape(npr, -1)
    diffuse_modulation = jnp.clip(diffuse_modulation, 0.0, 1.0)
    modulated = envs_intensities_batch * diffuse_modulation
    modulated_sum = jnp.sum(modulated, axis=1, keepdims=True)
    normalized = modulated / modulated_sum  # [npr, HW]
    cumsum = jnp.cumsum(normalized, axis=1)[:, None, :]  # [npr, 1, HW]
    cumsum_b = jnp.broadcast_to(cumsum, (npr, NSR, H * W))
    choices = jnp.argmax((ps_samples < cumsum_b).astype(jnp.int32), axis=2)  # [npr, NSR]
    Vs = choices // W
    Us = choices % W
    sampled_qx = jnp.take_along_axis(normalized, choices, axis=1) + 1e-07
    px = 2.0 / (H * W)
    modulated_px = px * jnp.take_along_axis(diffuse_modulation, choices, axis=1)
    ratio = modulated_px / sampled_qx
    return (Vs.astype(jnp.int64), Us, ratio, envs_intensities_batch,
            diffuse_modulation, normalized)

if __name__ == "__main__":
    import jax
    _d = setup_inputs()
    print(jax.jit(kernel)(*tuple(_d.values())))

</pallas_src>

<mosaic_0001>
module attributes {stable_mosaic.version = 14 : i64} {
  func.func @_maps_kernel(%arg0: i32, %arg1: memref<3x2048xf32, #tpu.memory_space<vmem>>, %arg2: memref<3x2048xf32, #tpu.memory_space<vmem>>, %arg3: memref<256x3xf32, #tpu.memory_space<vmem>>, %arg4: memref<256x2048xf32, #tpu.memory_space<vmem>>, %arg5: memref<256x2048xf32, #tpu.memory_space<vmem>>) attributes {dimension_semantics = [#tpu.dimension_semantics<arbitrary>], iteration_bounds = array<i64: 64>, scalar_prefetch = 0 : i64, scratch_operands = 0 : i64, tpu.core_type = #tpu.core_type<tc>, window_params = [{transform_indices = @transform_0, window_bounds = array<i64: 3, 2048>}, {transform_indices = @transform_1, window_bounds = array<i64: 3, 2048>}, {pipeline_mode = #tpu.pipeline_mode<synchronous>, transform_indices = @transform_2, window_bounds = array<i64: 256, 3>}, {transform_indices = @transform_3, window_bounds = array<i64: 256, 2048>}, {transform_indices = @transform_4, window_bounds = array<i64: 256, 2048>}]} {
    %get3A = arith.constant 0 : index
    %get3A_0 = arith.constant 0 : index
    %get3A_1 = vector.load %arg1[%get3A, %get3A_0] : memref<3x2048xf32, #tpu.memory_space<vmem>>, vector<3x2048xf32>
    %slice3A = vector.extract_strided_slice %get3A_1 {offsets = [0, 0], sizes = [1, 2048], strides = [1, 1]} : vector<3x2048xf32> to vector<1x2048xf32>
    %integer_pow3A = arith.mulf %slice3A, %slice3A : vector<1x2048xf32>
    %slice3A_2 = vector.extract_strided_slice %get3A_1 {offsets = [1, 0], sizes = [1, 2048], strides = [1, 1]} : vector<3x2048xf32> to vector<1x2048xf32>
    %integer_pow3A_3 = arith.mulf %slice3A_2, %slice3A_2 : vector<1x2048xf32>
    %add3A = arith.addf %integer_pow3A, %integer_pow3A_3 : vector<1x2048xf32>
    %slice3A_4 = vector.extract_strided_slice %get3A_1 {offsets = [2, 0], sizes = [1, 2048], strides = [1, 1]} : vector<3x2048xf32> to vector<1x2048xf32>
    %integer_pow3A_5 = arith.mulf %slice3A_4, %slice3A_4 : vector<1x2048xf32>
    %add3A_6 = arith.addf %add3A, %integer_pow3A_5 : vector<1x2048xf32>
    %sqrt3A = math.sqrt %add3A_6 : vector<1x2048xf32>
    %get3A_7 = arith.constant 0 : index
    %get3A_8 = arith.constant 0 : index
    %get3A_9 = vector.load %arg2[%get3A_7, %get3A_8] : memref<3x2048xf32, #tpu.memory_space<vmem>>, vector<3x2048xf32>
    %get3A_10 = arith.constant 0 : index
    %get3A_11 = arith.constant 0 : index
    %get3A_12 = vector.load %arg3[%get3A_10, %get3A_11] : memref<256x3xf32, #tpu.memory_space<vmem>>, vector<256x3xf32>
    %slice3A_13 = vector.extract_strided_slice %get3A_12 {offsets = [0, 0], sizes = [256, 1], strides = [1, 1]} : vector<256x3xf32> to vector<256x1xf32>
    %slice3A_14 = vector.extract_strided_slice %get3A_9 {offsets = [0, 0], sizes = [1, 2048], strides = [1, 1]} : vector<3x2048xf32> to vector<1x2048xf32>
    %mul3A = vector.broadcast %slice3A_13 : vector<256x1xf32> to vector<256x2048xf32>
    %mul3A_15 = vector.broadcast %slice3A_14 : vector<1x2048xf32> to vector<256x2048xf32>
    %mul3A_16 = arith.mulf %mul3A, %mul3A_15 : vector<256x2048xf32>
    %slice3A_17 = vector.extract_strided_slice %get3A_12 {offsets = [0, 1], sizes = [256, 1], strides = [1, 1]} : vector<256x3xf32> to vector<256x1xf32>
    %slice3A_18 = vector.extract_strided_slice %get3A_9 {offsets = [1, 0], sizes = [1, 2048], strides = [1, 1]} : vector<3x2048xf32> to vector<1x2048xf32>
    %mul3A_19 = vector.broadcast %slice3A_17 : vector<256x1xf32> to vector<256x2048xf32>
    %mul3A_20 = vector.broadcast %slice3A_18 : vector<1x2048xf32> to vector<256x2048xf32>
    %mul3A_21 = arith.mulf %mul3A_19, %mul3A_20 : vector<256x2048xf32>
    %add3A_22 = arith.addf %mul3A_16, %mul3A_21 : vector<256x2048xf32>
    %slice3A_23 = vector.extract_strided_slice %get3A_12 {offsets = [0, 2], sizes = [256, 1], strides = [1, 1]} : vector<256x3xf32> to vector<256x1xf32>
    %slice3A_24 = vector.extract_strided_slice %get3A_9 {offsets = [2, 0], sizes = [1, 2048], strides = [1, 1]} : vector<3x2048xf32> to vector<1x2048xf32>
    %mul3A_25 = vector.broadcast %slice3A_23 : vector<256x1xf32> to vector<256x2048xf32>
    %mul3A_26 = vector.broadcast %slice3A_24 : vector<1x2048xf32> to vector<256x2048xf32>
    %mul3A_27 = arith.mulf %mul3A_25, %mul3A_26 : vector<256x2048xf32>
    %add3A_28 = arith.addf %add3A_22, %mul3A_27 : vector<256x2048xf32>
    %jit3A = arith.constant 0.000000e+00 : f32
    %jit3A_29 = arith.constant 1.000000e+00 : f32
    %max3A = vector.broadcast %jit3A : f32 to vector<256x2048xf32>
    %max3A_30 = arith.maximumf %max3A, %add3A_28 : vector<256x2048xf32>
    %min3A = vector.broadcast %jit3A_29 : f32 to vector<256x2048xf32>
    %min3A_31 = arith.minimumf %min3A, %max3A_30 : vector<256x2048xf32>
    %broadcast_in_dim3A = vector.shape_cast %sqrt3A : vector<1x2048xf32> to vector<1x2048xf32>
    %broadcast_in_dim3A_32 = vector.broadcast %broadcast_in_dim3A : vector<1x2048xf32> to vector<256x2048xf32>
    %swap3A = arith.constant 0 : index
    %swap3A_33 = arith.constant 0 : index
    %swap3A_34 = vector.load %arg4[%swap3A, %swap3A_33] : memref<256x2048xf32, #tpu.memory_space<vmem>>, vector<256x2048xf32>
    tpu.vector_store %arg4[%swap3A, %swap3A_33], %broadcast_in_dim3A_32 {strides = array<i32>} : memref<256x2048xf32, #tpu.memory_space<vmem>>, vector<256x2048xf32>,
    %swap3A_35 = arith.constant 0 : index
    %swap3A_36 = arith.constant 0 : index
    %swap3A_37 = vector.load %arg5[%swap3A_35, %swap3A_36] : memref<256x2048xf32, #tpu.memory_space<vmem>>, vector<256x2048xf32>
    tpu.vector_store %arg5[%swap3A_35, %swap3A_36], %min3A_31 {strides = array<i32>} : memref<256x2048xf32, #tpu.memory_space<vmem>>, vector<256x2048xf32>,
    return
  }
  func.func @transform_0(%arg0: i32) -> (i32, i32) {
    %c0_i32 = arith.constant 0 : i32
    %c0_i32_0 = arith.constant 0 : i32
    return %c0_i32, %arg0 : i32, i32
  }
  func.func @transform_1(%arg0: i32) -> (i32, i32) {
    %c0_i32 = arith.constant 0 : i32
    %c0_i32_0 = arith.constant 0 : i32
    return %c0_i32, %arg0 : i32, i32
  }
  func.func @transform_2(%arg0: i32) -> (i32, i32) {
    %c0_i32 = arith.constant 0 : i32
    %c0_i32_0 = arith.constant 0 : i32
    %c0_i32_1 = arith.constant 0 : i32
    return %c0_i32, %c0_i32_0 : i32, i32
  }
  func.func @transform_3(%arg0: i32) -> (i32, i32) {
    %c0_i32 = arith.constant 0 : i32
    %c0_i32_0 = arith.constant 0 : i32
    return %c0_i32, %arg0 : i32, i32
  }
  func.func @transform_4(%arg0: i32) -> (i32, i32) {
    %c0_i32 = arith.constant 0 : i32
    %c0_i32_0 = arith.constant 0 : i32
    return %c0_i32, %arg0 : i32, i32
  }
}

module attributes {stable_mosaic.version = 14 : i64} {
  func.func @_sample_kernel(%arg0: i32, %arg1: memref<256x2048xf32, #tpu.memory_space<vmem>>, %arg2: memref<256x2048xf32, #tpu.memory_space<vmem>>, %arg3: memref<256x2048xf32, #tpu.memory_space<vmem>>, %arg4: memref<256x2xf32, #tpu.memory_space<vmem>>, %arg5: memref<256x2xi32, #tpu.memory_space<vmem>>, %arg6: memref<256x2xf32, #tpu.memory_space<vmem>>, %arg7: memref<256x2xf32, #tpu.memory_space<vmem>>) attributes {dimension_semantics = [#tpu.dimension_semantics<arbitrary>], iteration_bounds = array<i64: 64>, scalar_prefetch = 0 : i64, scratch_operands = 0 : i64, tpu.core_type = #tpu.core_type<tc>, window_params = [{transform_indices = @transform_0, window_bounds = array<i64: 256, 2048>}, {transform_indices = @transform_1, window_bounds = array<i64: 256, 2048>}, {transform_indices = @transform_2, window_bounds = array<i64: 256, 2048>}, {pipeline_mode = #tpu.pipeline_mode<synchronous>, transform_indices = @transform_3, window_bounds = array<i64: 256, 2>}, {pipeline_mode = #tpu.pipeline_mode<synchronous>, transform_indices = @transform_4, window_bounds = array<i64: 256, 2>}, {pipeline_mode = #tpu.pipeline_mode<synchronous>, transform_indices = @transform_5, window_bounds = array<i64: 256, 2>}, {pipeline_mode = #tpu.pipeline_mode<synchronous>, transform_indices = @transform_6, window_bounds = array<i64: 256, 2>}]} {
    %eq3A = arith.constant 0 : i32
    %eq3A_0 = arith.cmpi eq, %arg0, %eq3A : i32
    %convert_element_type3A = arith.extui %eq3A_0 : i1 to i32
    %cond3A = arith.constant 0 : i32
    %cond3A_1 = arith.cmpi ne, %convert_element_type3A, %cond3A : i32
    scf.if %cond3A_1 {
      %broadcast_in_dim3A_118 = arith.constant 131072 : i32
      %broadcast_in_dim3A_119 = vector.broadcast %broadcast_in_dim3A_118 : i32 to vector<256x2xi32>
      %swap3A_120 = arith.constant 0 : index
      %swap3A_121 = arith.constant 0 : index
      %swap3A_122 = vector.load %arg5[%swap3A_120, %swap3A_121] : memref<256x2xi32, #tpu.memory_space<vmem>>, vector<256x2xi32>
      tpu.vector_store %arg5[%swap3A_120, %swap3A_121], %broadcast_in_dim3A_119 {strides = array<i32>} : memref<256x2xi32, #tpu.memory_space<vmem>>, vector<256x2xi32>,
      %broadcast_in_dim3A_123 = arith.constant 0.000000e+00 : f32
      %broadcast_in_dim3A_124 = vector.broadcast %broadcast_in_dim3A_123 : f32 to vector<256x2xf32>
      %swap3A_125 = arith.constant 0 : index
      %swap3A_126 = arith.constant 0 : index
      %swap3A_127 = vector.load %arg6[%swap3A_125, %swap3A_126] : memref<256x2xf32, #tpu.memory_space<vmem>>, vector<256x2xf32>
      tpu.vector_store %arg6[%swap3A_125, %swap3A_126], %broadcast_in_dim3A_124 {strides = array<i32>} : memref<256x2xf32, #tpu.memory_space<vmem>>, vector<256x2xf32>,
      %broadcast_in_dim3A_128 = arith.constant 0.000000e+00 : f32
      %broadcast_in_dim3A_129 = vector.broadcast %broadcast_in_dim3A_128 : f32 to vector<256x2xf32>
      %swap3A_130 = arith.constant 0 : index
      %swap3A_131 = arith.constant 0 : index
      %swap3A_132 = vector.load %arg7[%swap3A_130, %swap3A_131] : memref<256x2xf32, #tpu.memory_space<vmem>>, vector<256x2xf32>
      tpu.vector_store %arg7[%swap3A_130, %swap3A_131], %broadcast_in_dim3A_129 {strides = array<i32>} : memref<256x2xf32, #tpu.memory_space<vmem>>, vector<256x2xf32>,
    } else {
    }
    %get3A = arith.constant 0 : index
    %get3A_2 = arith.constant 0 : index
    %get3A_3 = vector.load %arg1[%get3A, %get3A_2] : memref<256x2048xf32, #tpu.memory_space<vmem>>, vector<256x2048xf32>
    %get3A_4 = arith.constant 0 : index
    %get3A_5 = arith.constant 0 : index
    %get3A_6 = vector.load %arg2[%get3A_4, %get3A_5] : memref<256x2048xf32, #tpu.memory_space<vmem>>, vector<256x2048xf32>
    %get3A_7 = arith.constant 0 : index
    %get3A_8 = arith.constant 0 : index
    %get3A_9 = vector.load %arg3[%get3A_7, %get3A_8] : memref<256x2048xf32, #tpu.memory_space<vmem>>, vector<256x2048xf32>
    %get3A_10 = arith.constant 0 : index
    %get3A_11 = arith.constant 0 : index
    %get3A_12 = vector.load %arg4[%get3A_10, %get3A_11] : memref<256x2xf32, #tpu.memory_space<vmem>>, vector<256x2xf32>
    %iota3A = tpu.iota {dimensions = array<i32: 1>} : vector<256x2048xi32>
    %mul3A = arith.constant 2048 : i32
    %mul3A_13 = arith.muli %arg0, %mul3A : i32
    %slice3A = vector.extract_strided_slice %get3A_12 {offsets = [0, 0], sizes = [256, 1], strides = [1, 1]} : vector<256x2xf32> to vector<256x1xf32>
    %gt3A = vector.broadcast %slice3A : vector<256x1xf32> to vector<256x2048xf32>
    %gt3A_14 = arith.cmpf ogt, %get3A_3, %gt3A : vector<256x2048xf32>
    %jit3A = arith.constant 131072 : i32
    %broadcast_in_dim3A = vector.broadcast %jit3A : i32 to vector<256x2048xi32>
    %select_n3A = arith.select %gt3A_14, %iota3A, %broadcast_in_dim3A : vector<256x2048xi1>, vector<256x2048xi32>
    %reduce_min3A = arith.constant dense<2147483647> : vector<256xi32>
    %reduce_min3A_15 = vector.multi_reduction <minsi>, %select_n3A, %reduce_min3A [1] : vector<256x2048xi32> to vector<256xi32>
    %broadcast_in_dim3A_16 = vector.shape_cast %reduce_min3A_15 : vector<256xi32> to vector<256x1xi32>
    %get3A_17 = arith.constant 0 : index
    %get3A_18 = arith.constant 0 : index
    %get3A_19 = vector.load %arg5[%get3A_17, %get3A_18] : memref<256x2xi32, #tpu.memory_space<vmem>>, vector<256x1xi32>
    %ge3A = arith.constant 131072 : i32
    %ge3A_20 = vector.broadcast %ge3A : i32 to vector<256x1xi32>
    %ge3A_21 = arith.cmpi sge, %get3A_19, %ge3A_20 : vector<256x1xi32>
    %lt3A = arith.constant 131072 : i32
    %lt3A_22 = vector.broadcast %lt3A : i32 to vector<256x1xi32>
    %lt3A_23 = arith.cmpi slt, %broadcast_in_dim3A_16, %lt3A_22 : vector<256x1xi32>
    %and3A = arith.andi %ge3A_21, %lt3A_23 : vector<256x1xi1>
    %eq3A_24 = vector.broadcast %broadcast_in_dim3A_16 : vector<256x1xi32> to vector<256x2048xi32>
    %eq3A_25 = arith.cmpi eq, %iota3A, %eq3A_24 : vector<256x2048xi32>
    %and3A_26 = vector.broadcast %and3A : vector<256x1xi1> to vector<256x2048xi1>
    %and3A_27 = arith.andi %and3A_26, %eq3A_25 : vector<256x2048xi1>
    %jit3A_28 = arith.constant 0.000000e+00 : f32
    %broadcast_in_dim3A_29 = vector.broadcast %jit3A_28 : f32 to vector<256x2048xf32>
    %select_n3A_30 = arith.select %and3A_27, %get3A_6, %broadcast_in_dim3A_29 : vector<256x2048xi1>, vector<256x2048xf32>
    %reduce_sum3A = arith.constant dense<0.000000e+00> : vector<256xf32>
    %reduce_sum3A_31 = vector.multi_reduction <add>, %select_n3A_30, %reduce_sum3A [1] : vector<256x2048xf32> to vector<256xf32>
    %broadcast_in_dim3A_32 = vector.shape_cast %reduce_sum3A_31 : vector<256xf32> to vector<256x1xf32>
    %jit3A_33 = arith.constant 0.000000e+00 : f32
    %broadcast_in_dim3A_34 = vector.broadcast %jit3A_33 : f32 to vector<256x2048xf32>
    %select_n3A_35 = arith.select %and3A_27, %get3A_9, %broadcast_in_dim3A_34 : vector<256x2048xi1>, vector<256x2048xf32>
    %reduce_sum3A_36 = arith.constant dense<0.000000e+00> : vector<256xf32>
    %reduce_sum3A_37 = vector.multi_reduction <add>, %select_n3A_35, %reduce_sum3A_36 [1] : vector<256x2048xf32> to vector<256xf32>
    %broadcast_in_dim3A_38 = vector.shape_cast %reduce_sum3A_37 : vector<256xf32> to vector<256x1xf32>
    %add3A = vector.broadcast %mul3A_13 : i32 to vector<256x1xi32>
    %add3A_39 = arith.addi %add3A, %broadcast_in_dim3A_16 : vector<256x1xi32>
    %get3A_40 = arith.constant 0 : index
    %get3A_41 = arith.constant 0 : index
    %get3A_42 = vector.load %arg5[%get3A_40, %get3A_41] : memref<256x2xi32, #tpu.memory_space<vmem>>, vector<256x1xi32>
    %select_n3A_43 = arith.select %and3A, %add3A_39, %get3A_42 : vector<256x1xi1>, vector<256x1xi32>
    %swap3A = arith.constant 0 : index
    %swap3A_44 = arith.constant 0 : index
    %swap3A_45 = vector.load %arg5[%swap3A, %swap3A_44] : memref<256x2xi32, #tpu.memory_space<vmem>>, vector<256x1xi32>
    tpu.vector_store %arg5[%swap3A, %swap3A_44], %select_n3A_43 {strides = array<i32>} : memref<256x2xi32, #tpu.memory_space<vmem>>, vector<256x1xi32>,
    %get3A_46 = arith.constant 0 : index
    %get3A_47 = arith.constant 0 : index
    %get3A_48 = vector.load %arg6[%get3A_46, %get3A_47] : memref<256x2xf32, #tpu.memory_space<vmem>>, vector<256x1xf32>
    %add3A_49 = arith.addf %get3A_48, %broadcast_in_dim3A_32 : vector<256x1xf32>
    %swap3A_50 = arith.constant 0 : index
    %swap3A_51 = arith.constant 0 : index
    %swap3A_52 = vector.load %arg6[%swap3A_50, %swap3A_51] : memref<256x2xf32, #tpu.memory_space<vmem>>, vector<256x1xf32>
    tpu.vector_store %arg6[%swap3A_50, %swap3A_51], %add3A_49 {strides = array<i32>} : memref<256x2xf32, #tpu.memory_space<vmem>>, vector<256x1xf32>,
    %get3A_53 = arith.constant 0 : index
    %get3A_54 = arith.constant 0 : index
    %get3A_55 = vector.load %arg7[%get3A_53, %get3A_54] : memref<256x2xf32, #tpu.memory_space<vmem>>, vector<256x1xf32>
    %add3A_56 = arith.addf %get3A_55, %broadcast_in_dim3A_38 : vector<256x1xf32>
    %swap3A_57 = arith.constant 0 : index
    %swap3A_58 = arith.constant 0 : index
    %swap3A_59 = vector.load %arg7[%swap3A_57, %swap3A_58] : memref<256x2xf32, #tpu.memory_space<vmem>>, vector<256x1xf32>
    tpu.vector_store %arg7[%swap3A_57, %swap3A_58], %add3A_56 {strides = array<i32>} : memref<256x2xf32, #tpu.memory_space<vmem>>, vector<256x1xf32>,
    %slice3A_60 = vector.extract_strided_slice %get3A_12 {offsets = [0, 1], sizes = [256, 1], strides = [1, 1]} : vector<256x2xf32> to vector<256x1xf32>
    %gt3A_61 = vector.broadcast %slice3A_60 : vector<256x1xf32> to vector<256x2048xf32>
    %gt3A_62 = arith.cmpf ogt, %get3A_3, %gt3A_61 : vector<256x2048xf32>
    %jit3A_63 = arith.constant 131072 : i32
    %broadcast_in_dim3A_64 = vector.broadcast %jit3A_63 : i32 to vector<256x2048xi32>
    %select_n3A_65 = arith.select %gt3A_62, %iota3A, %broadcast_in_dim3A_64 : vector<256x2048xi1>, vector<256x2048xi32>
    %reduce_min3A_66 = arith.constant dense<2147483647> : vector<256xi32>
    %reduce_min3A_67 = vector.multi_reduction <minsi>, %select_n3A_65, %reduce_min3A_66 [1] : vector<256x2048xi32> to vector<256xi32>
    %broadcast_in_dim3A_68 = vector.shape_cast %reduce_min3A_67 : vector<256xi32> to vector<256x1xi32>
    %get3A_69 = arith.constant 0 : index
    %get3A_70 = arith.constant 1 : index
    %get3A_71 = vector.load %arg5[%get3A_69, %get3A_70] : memref<256x2xi32, #tpu.memory_space<vmem>>, vector<256x1xi32>
    %ge3A_72 = arith.constant 131072 : i32
    %ge3A_73 = vector.broadcast %ge3A_72 : i32 to vector<256x1xi32>
    %ge3A_74 = arith.cmpi sge, %get3A_71, %ge3A_73 : vector<256x1xi32>
    %lt3A_75 = arith.constant 131072 : i32
    %lt3A_76 = vector.broadcast %lt3A_75 : i32 to vector<256x1xi32>
    %lt3A_77 = arith.cmpi slt, %broadcast_in_dim3A_68, %lt3A_76 : vector<256x1xi32>
    %and3A_78 = arith.andi %ge3A_74, %lt3A_77 : vector<256x1xi1>
    %eq3A_79 = vector.broadcast %broadcast_in_dim3A_68 : vector<256x1xi32> to vector<256x2048xi32>
    %eq3A_80 = arith.cmpi eq, %iota3A, %eq3A_79 : vector<256x2048xi32>
    %and3A_81 = vector.broadcast %and3A_78 : vector<256x1xi1> to vector<256x2048xi1>
    %and3A_82 = arith.andi %and3A_81, %eq3A_80 : vector<256x2048xi1>
    %jit3A_83 = arith.constant 0.000000e+00 : f32
    %broadcast_in_dim3A_84 = vector.broadcast %jit3A_83 : f32 to vector<256x2048xf32>
    %select_n3A_85 = arith.select %and3A_82, %get3A_6, %broadcast_in_dim3A_84 : vector<256x2048xi1>, vector<256x2048xf32>
    %reduce_sum3A_86 = arith.constant dense<0.000000e+00> : vector<256xf32>
    %reduce_sum3A_87 = vector.multi_reduction <add>, %select_n3A_85, %reduce_sum3A_86 [1] : vector<256x2048xf32> to vector<256xf32>
    %broadcast_in_dim3A_88 = vector.shape_cast %reduce_sum3A_87 : vector<256xf32> to vector<256x1xf32>
    %jit3A_89 = arith.constant 0.000000e+00 : f32
    %broadcast_in_dim3A_90 = vector.broadcast %jit3A_89 : f32 to vector<256x2048xf32>
    %select_n3A_91 = arith.select %and3A_82, %get3A_9, %broadcast_in_dim3A_90 : vector<256x2048xi1>, vector<256x2048xf32>
    %reduce_sum3A_92 = arith.constant dense<0.000000e+00> : vector<256xf32>
    %reduce_sum3A_93 = vector.multi_reduction <add>, %select_n3A_91, %reduce_sum3A_92 [1] : vector<256x2048xf32> to vector<256xf32>
    %broadcast_in_dim3A_94 = vector.shape_cast %reduce_sum3A_93 : vector<256xf32> to vector<256x1xf32>
    %add3A_95 = vector.broadcast %mul3A_13 : i32 to vector<256x1xi32>
    %add3A_96 = arith.addi %add3A_95, %broadcast_in_dim3A_68 : vector<256x1xi32>
    %get3A_97 = arith.constant 0 : index
    %get3A_98 = arith.constant 1 : index
    %get3A_99 = vector.load %arg5[%get3A_97, %get3A_98] : memref<256x2xi32, #tpu.memory_space<vmem>>, vector<256x1xi32>
    %select_n3A_100 = arith.select %and3A_78, %add3A_96, %get3A_99 : vector<256x1xi1>, vector<256x1xi32>
    %swap3A_101 = arith.constant 0 : index
    %swap3A_102 = arith.constant 1 : index
    %swap3A_103 = vector.load %arg5[%swap3A_101, %swap3A_102] : memref<256x2xi32, #tpu.memory_space<vmem>>, vector<256x1xi32>
    tpu.vector_store %arg5[%swap3A_101, %swap3A_102], %select_n3A_100 {strides = array<i32>} : memref<256x2xi32, #tpu.memory_space<vmem>>, vector<256x1xi32>,
    %get3A_104 = arith.constant 0 : index
    %get3A_105 = arith.constant 1 : index
    %get3A_106 = vector.load %arg6[%get3A_104, %get3A_105] : memref<256x2xf32, #tpu.memory_space<vmem>>, vector<256x1xf32>
    %add3A_107 = arith.addf %get3A_106, %broadcast_in_dim3A_88 : vector<256x1xf32>
    %swap3A_108 = arith.constant 0 : index
    %swap3A_109 = arith.constant 1 : index
    %swap3A_110 = vector.load %arg6[%swap3A_108, %swap3A_109] : memref<256x2xf32, #tpu.memory_space<vmem>>, vector<256x1xf32>
    tpu.vector_store %arg6[%swap3A_108, %swap3A_109], %add3A_107 {strides = array<i32>} : memref<256x2xf32, #tpu.memory_space<vmem>>, vector<256x1xf32>,
    %get3A_111 = arith.constant 0 : index
    %get3A_112 = arith.constant 1 : index
    %get3A_113 = vector.load %arg7[%get3A_111, %get3A_112] : memref<256x2xf32, #tpu.memory_space<vmem>>, vector<256x1xf32>
    %add3A_114 = arith.addf %get3A_113, %broadcast_in_dim3A_94 : vector<256x1xf32>
    %swap3A_115 = arith.constant 0 : index
    %swap3A_116 = arith.constant 1 : index
    %swap3A_117 = vector.load %arg7[%swap3A_115, %swap3A_116] : memref<256x2xf32, #tpu.memory_space<vmem>>, vector<256x1xf32>
    tpu.vector_store %arg7[%swap3A_115, %swap3A_116], %add3A_114 {strides = array<i32>} : memref<256x2xf32, #tpu.memory_space<vmem>>, vector<256x1xf32>,
    return
  }
  func.func @transform_0(%arg0: i32) -> (i32, i32) {
    %c0_i32 = arith.constant 0 : i32
    %c0_i32_0 = arith.constant 0 : i32
    return %c0_i32, %arg0 : i32, i32
  }
  func.func @transform_1(%arg0: i32) -> (i32, i32) {
    %c0_i32 = arith.constant 0 : i32
    %c0_i32_0 = arith.constant 0 : i32
    return %c0_i32, %arg0 : i32, i32
  }
  func.func @transform_2(%arg0: i32) -> (i32, i32) {
    %c0_i32 = arith.constant 0 : i32
    %c0_i32_0 = arith.constant 0 : i32
    return %c0_i32, %arg0 : i32, i32
  }
  func.func @transform_3(%arg0: i32) -> (i32, i32) {
    %c0_i32 = arith.constant 0 : i32
    %c0_i32_0 = arith.constant 0 : i32
    %c0_i32_1 = arith.constant 0 : i32
    return %c0_i32, %c0_i32_0 : i32, i32
  }
  func.func @transform_4(%arg0: i32) -> (i32, i32) {
    %c0_i32 = arith.constant 0 : i32
    %c0_i32_0 = arith.constant 0 : i32
    %c0_i32_1 = arith.constant 0 : i32
    return %c0_i32, %c0_i32_0 : i32, i32
  }
  func.func @transform_5(%arg0: i32) -> (i32, i32) {
    %c0_i32 = arith.constant 0 : i32
    %c0_i32_0 = arith.constant 0 : i32
    %c0_i32_1 = arith.constant 0 : i32
    return %c0_i32, %c0_i32_0 : i32, i32
  }
  func.func @transform_6(%arg0: i32) -> (i32, i32) {
    %c0_i32 = arith.constant 0 : i32
    %c0_i32_0 = arith.constant 0 : i32
    %c0_i32_1 = arith.constant 0 : i32
    return %c0_i32, %c0_i32_0 : i32, i32
  }
}

</mosaic_0001>

<sc_bundles>
// kernel: sparse-core-data-format-call.1.cloned.1.call-start
scs
called_computation.1_lowered:
.L_overlay_start_0:
0x0: {  	s2 =	sld [smem:$0x3FD9]  }
0x1: {  	s3 =	sld [smem:$0x3FFE];
	_ =	sdelay $0x1  }
0x2: {  	s1 =	srdreg.scid  }
0x3: {  	s0 =	sand.u32 $0x1, s1  }
0x4: {  	s15 =	sshll.u32 s0, $0xA;
	s2 =	sadd.s32 s3, s2  }
0x5: {  	s2 =	sadd.s32 s2, s15  }
0x6: {  	[smem:$0x3FC3] =	sst s2  }
0x7: {  	_ = 	snop  }
0x8: {  	s2 =	sld [smem:$0x3FD0];
	_ =	sdelay $0x2  }
0x9: {  	s16 =	simm.s32 $0xB;
	s4 =	simm.s32 $0x10  }
0xa: {  	[smem:s4], [sflag:s16] =	dma.local [hbm:s2], $0x1  }
0xb: {  	_ =	swait.eq [sflag:s16], $0x1  }
0xc: {  	[sflag:s16] =	ssyncset.done $0x0  }
0xd: {  	[sflag:s16] =	ssyncadd.s32 $0xFFFFFFFF  }
0xe: {  	s17 =	sld [smem:$0x14];
	(tm) =	ssettm $0x1  }
0xf: {  	s18 =	sld [smem:$0x3FFB];
	_ =	sdelay $0x3  }
0x10: {  	_ =	strace s18  }
0x11: {  	s3 =	sld [smem:$0x3FFC];
	_ =	sdelay $0x3  }
0x12: {  	_ =	strace s3  }
0x13: {  	s3 =	sld [smem:$0x3FFD];
	_ =	sdelay $0x3  }
0x14: {  	_ =	strace s3  }
0x15: {  	_ =	strace $0x8FFFFFFF  }
0x16: {  	s19 =	sld [smem:$0x3FDB];
	_ =	sdelay $0x1  }
0x17: {  	s20 =	simm.s32 $_scs_section_size  }
0x18: {  	s5 =	simm.s32 $_size__tile_overlayer_lowered;
	s6 =	simm.s32 $_tile_overlayer_lowered  }
0x19: {  	s23 =	simm.s32 $0x1BFF;
	s22 =	sshll.u32 s6, $0x1;
	s3 =	sadd.s32 s20, s19  }
0x1a: {  	s7 =	simm.s32 $0x0;
	s21 =	sshll.u32 s5, $0x1;
	s5 =	sadd.s32 s22, s3  }
0x1b: {  	[timem:s7], [sflag:s23] =	dma.local [hbm:s5], s21  }
0x1c: {  	_ =	swait.ge [sflag:s23], s21  }
0x1d: {  	s4 =	ssub.s32 $0x0, s21;
	[sflag:s23] =	ssyncset.done $0x0  }
0x1e: {  	[sflag:s23] =	ssyncadd.s32 s4;
	_ =	sdelay $0x1  }
0x1f: {  	s24 =	simm.s32 $0x1B8B  }
0x20: {  	_ =	swait.ge [sflag:s24], $0x1  }
0x21: {  	[sflag:s24] =	ssyncset.done $0x0  }
0x22: {  	s26 =	simm.s32 $0x1B8E;
	s25 =	sld [smem:$0x3FFE];
	[sflag:s24] =	ssyncadd.s32 $0xFFFFFFFF  }
0x23: {  	s27 =	simm.s32 $execute0_lowered;
	[smem:$0x3FD2] =	sst s26  }
0x24: {  	s5 =	sshll.u32 s27, $0x1;
	_ =	strace $0x8000004C;
	[dreg:$0x1] =	wrdreg $0xFFFFFFFF  }
0x25: {  	s28 =	simm.s32 $_size_execute0_lowered;
	s3 =	sadd.s32 s3, s5;
	[dreg:$0x0] =	wrdreg $0x0  }
0x26: {  	s5 =	sshll.u32 s28, $0x1;
	[dreg:$0x2] =	wrdreg s3  }
0x27: {  	[dreg:$0x3] =	wrdreg s5  }
0x28: {  	[dreg:$0x4] =	wrdreg $0xC0  }
0x29: {  	_ =	task [dreg:s7], $0x5FFFF  }
0x2a: {  	[dreg:$0x1] =	wrdreg $0xFFFFFFFF  }
0x2b: {  	[dreg:$0x0] =	wrdreg $0x60  }
0x2c: {  	[dreg:$0x2] =	wrdreg s17  }
0x2d: {  	[dreg:$0x3] =	wrdreg s25  }
0x2e: {  	[dreg:$0x4] =	wrdreg $0x9  }
0x2f: {  	_ =	task.clear_ibuf [dreg:s7], $0x5FFFF;
	_ =	strace $0x9000004C  }
0x30: {  	s29 =	simm.s32 $0x9;
	_ =	strace $0x8000004E  }
0x31: {  	_ =	swait.ge [sflag:s29], $0x1  }
0x32: {  	[sflag:s29] =	ssyncadd.s32 $0xFFFFFFFF  }
0x33: {  	_ =	strace $0x9000004E  }
0x34: {  	_ =	sfence  }
0x35: {  	s30 =	sld [smem:$0x0];
	_ =	sdelay $0x2  }
0x36: {  	s31 =	sshll.u32 s1, $0xD;
	s1 =	sshrl.u32 s1, $0x2  }
0x37: {  	s3 =	sand.u32 $0x4000, s31;
	s1 =	sadd.s32 s1, s30  }
0x38: {  	s0 =	sor.u32 s3, s0;
	s1 =	sshll.u32 s1, $0x11  }
0x39: {  	s0 =	sor.u32 s1, s0  }
0x3a: {  	s0 =	sadd.s32 $0x8F2B, s0  }
0x3b: {  	[sflag:s0] =	ssyncadd.remote.s32 $0x1  }
0x3c: {  	_ =	sfence.sel $0xFFFF  }
0x3d: {  	[dreg:$0x0] =	wrdreg $0xFFFFFFFF;
	(pc) =	sbr.abs _section_cstart, $3  }
0x3e: {  	[dreg:$0x1] =	wrdreg $0xFFFFFFFF  }
0x3f: {  	_ =	task.clear_ibuf [dreg:s7], $0x2FFFF;
	_ =	strace $0x9FFFFFFF  }
0x40: {  	(tm) =	ssettm $0x7FFFFFFF  }
0x41: {  	_ =	shalt  }
tec
execute0_lowered:
.L_overlay_start_1:
0x0: {  	(tag) =	ssettag $0x1  }
0x1: {  	s2 =	rddreg [dreg:$0x0]  }
0x2: {  	s1 =	rddreg [dreg:$0x1]  }
0x3: {  	s0 =	rddreg [dreg:$0x2];
	_ =	strace $0x8000004D;
	s4 =	srdreg.scid  }
0x4: {  	s6 =	simm.s32 $0x2;
	s12 =	simm.s32 $0x0;
	p0 =	por $0x0, $0x0  }
.Ltmp0:
0x5: {  	s11 =	simm.s32 $0x0;
	s10 =	simm.s32 $0x0;
	(pc) =	sbr.rel .LBB1_1-.Ltmp0, $4  }
0x6: {  	s7 =	simm.s32 $0x0;
	s3 =	sadd.s32 $0x11200, s1;
	s5 =	sshll.u32 s4, $0x4  }
0x7: {  	s1 =	stileid.u32;
	s4 =	simm.s32 $0x1;
	s5 =	sand.u32 $0x10, s5  }
0x8: {  	s9 =	simm.s32 $0x0;
	[sflag:s4] =	ssyncpa.u1 $0x0;
	s5 =	sor.u32 s1, s5  }
0x9: {  	[sflag:s6] =	ssyncpa.u1 $0x0;
	s6 =	simm.s32 $0x0;
	s8 =	smov.u32 s5  }
.LBB1_5:
0xa: {  	s13 =	sadd.s32 $0x80, s7  }
0xb: {  	s10 =	sadd.s32 $0x20, s8;
	s14 =	smov.u32 s8;
	p2 =	sgt.s32 s13, $0x3FF  }
0xc: {  	s14 =	smov.u32 @p2 s10  }
0xd: {  	s16 =	smov.u32 s9;
	s10 =	sadd.s32 $0x80, s9;
	p3 =	sgt.s32 s14, $0xFF  }
0xe: {  	p1 =	slt.u32 s6, $0x2;
	s16 =	smov.u32 @p3 s10  }
0xf: {  	s6 =	sadd.s32 $0x1, s6;
	s13 =	simm.s32 @p2 $0x0;
	p2 =	sgt.s32 s16, $0x7F  }
0x10: {  	s16 =	simm.s32 @p2 $0x0;
	p2 =	sne.s32 s6, $0x42  }
.Ltmp1:
0x11: {  	s15 =	simm.s32 @!p1 $0x2;
	(pc) =	sbr.rel @!p2 .LBB1_6-.Ltmp1, $4  }
0x12: {  	s12 =	smov.u32 s7;
	_ =	swait.ge @!p1 [sflag:s15], $0x4000  }
0x13: {  	s11 =	smov.u32 s8;
	p0 =	por !p0, !p0;
	[sflag:s15] =	ssyncset.done @!p1 $0x0  }
0x14: {  	s7 =	smov.u32 s13;
	s14 =	smov.u32 @p3 s5;
	s10 =	smov.u32 s9  }
0x15: {  	[sflag:s15] =	ssyncadd.s32 @!p1 $0xFFFFC000;
	s8 =	smov.u32 s14;
	s9 =	smov.u32 s16  }
.LBB1_1:
0x16: {  	p1 =	sgt.u32 s6, $0x3F  }
0x17: {  	s13 =	sshll.u32 @!p1 s8, $0x7  }
0x18: {  	s14 =	sxor.u32 @!p1 $0xFFFFFFFF, s6;
	s15 =	sand.u32 @!p1 $0x78, s7;
	s16 =	sand.u32 @!p1 $0x380, s13  }
0x19: {  	s14 =	sshll.u32 @!p1 s14, $0xE;
	s15 =	sor.u32 @!p1 s15, s16;
	s16 =	sshll.u32 @!p1 s9, $0xF  }
0x1a: {  	s13 =	sand.u32 @!p1 $0x7C00, s13;
	s15 =	sshrl.u32 @!p1 s15, $0x3;
	s16 =	sadd.s32 @!p1 s2, s16  }
0x1b: {  	s13 =	sadd.s32 @!p1 s7, s13;
	s15 =	sadd.s32 @!p1 s15, s16;
	s16 =	sand.u32 @!p1 $0x7, s7  }
0x1c: {  	s14 =	sand.u32 @!p1 $0x4000, s14;
	s13 =	sand.u32 @!p1 $0x7F80, s13;
	s16 =	sshll.u32 @!p1 s16, $0x12  }
0x1d: {  	s13 =	sadd.s32 @!p1 s13, s15;
	s15 =	sor.u32 @!p1 $0x80, s16;
	s16 =	simm.s32 @!p1 $0x40000  }
0x1e: {  	[tilespmem:s14], [sflag:$0x1] =	stream.strided.gather @!p1 [hbm4b:s13+s15], $0x4000, s16, s15, $0x38;
	[tilespmem:$0x10100] =	vst v63  }
0x1f: {  	p1 =	seq.s32 s6, $0x0  }
0x20: {  	p2 =	seq.s32 @!p1 s6, $0x41  }
0x21: {  	p1 =	por p1, p2  }
.Ltmp2:
0x22: {  	_ = 	snop;
	(pc) =	sbr.rel @p1 .LBB1_5-.Ltmp2, $1  }
0x23: {  	_ =	sdelay $0x3  }
0x24: {  	s13 =	simm.s32 $0x1  }
0x25: {  	_ =	swait.ge [sflag:s4], $0x4000;
	s13 =	simm.s32 @!p0 $0x0  }
0x26: {  	[sflag:s4] =	ssyncset.done $0x0;
	s14 =	sshll.u32 s13, $0xE  }
0x27: {  	[sflag:s4] =	ssyncadd.s32 $0xFFFFC000;
	s16 =	sor.u32 $0x40, s14  }
0x28: {  	s13 =	smul.u32 $0x10200, s13;
	v0 =	vld [tilespmem:s16+$0x30]  }
0x29: {  	v3 =	vld [tilespmem:s16+$0xFFFFFFD0]  }
0x2a: {  	s13 =	sshrl.u32 s13, $0x2;
	v4 =	vld [tilespmem:s16+$0xFFFFFFE0]  }
0x2b: {  	v5 =	vld [tilespmem:s16+$0xFFFFFFF0];
	s14 =	sor.u32 $0x8000, s13  }
0x2c: {  	s31 =	sand.u32 $0x1, s6;
	v1 =	vld [tilespmem:s16+$0x0];
	s15 =	sadd.s32 $0x0, s14  }
0x2d: {  	v2 =	vld [tilespmem:s16+$0x10];
	s13 =	smul.u32 $0x10200, s31;
	[tilespmem:s15+$0x3870 ss:$0x81] =	vst.msk $0xffff, v0  }
0x2e: {  	[tilespmem:s15+$0x810 ss:$0x81] =	vst.msk $0xffff, v3;
	v3 =	vld [tilespmem:s16+$0x20]  }
0x2f: {  	s13 =	sshrl.u32 s13, $0x2;
	v0 =	vld [tilespmem:s16+$0xFFFFFFC0];
	[tilespmem:s15+$0x1020 ss:$0x81] =	vst.msk $0xffff, v4;
	s16 =	sadd.s32 $0x80, s16  }
0x30: {  	s17 =	simm.s32 $0x4;
	s18 =	simm.s32 $0x8;
	s13 =	sor.u32 $0x8000, s13;
	[tilespmem:s15+$0x1830 ss:$0x81] =	vst.msk $0xffff, v5;
	v4 =	vld [tilespmem:s16+$0x30]  }
.LBB1_3:
0x31: {  	p1 =	sne.s32 s18, $0x1FC;
	v5 =	vld [tilespmem:s16+$0xFFFFFFD0];
	[tilespmem:s15+$0x2040 ss:$0x81] =	vst.msk $0xffff, v1  }
0x32: {  	v6 =	vld [tilespmem:s16+$0xFFFFFFE0];
	[tilespmem:s15+$0x2850 ss:$0x81] =	vst.msk $0xffff, v2  }
0x33: {  	s19 =	sshra.s32 s17, $0x2;
	s17 =	smov.u32 s18;
	v7 =	vld [tilespmem:s16+$0xFFFFFFF0];
	[tilespmem:s15+$0x3060 ss:$0x81] =	vst.msk $0xffff, v3  }
.Ltmp3:
0x34: {  	v1 =	vld [tilespmem:s16+$0x0];
	[tilespmem:s15+$0x0 ss:$0x81] =	vst.msk $0xffff, v0;
	s15 =	sadd.s32 s19, s14;
	(pc) =	sbr.rel @p1 .LBB1_3-.Ltmp3, $4  }
0x35: {  	v2 =	vld [tilespmem:s16+$0x10];
	[tilespmem:s15+$0x3870 ss:$0x81] =	vst.msk $0xffff, v4  }
0x36: {  	[tilespmem:s15+$0x810 ss:$0x81] =	vst.msk $0xffff, v5;
	v3 =	vld [tilespmem:s16+$0x20]  }
0x37: {  	v0 =	vld [tilespmem:s16+$0xFFFFFFC0];
	[tilespmem:s15+$0x1020 ss:$0x81] =	vst.msk $0xffff, v6;
	s16 =	sadd.s32 $0x80, s16  }
0x38: {  	s18 =	sadd.s32 $0x4, s18;
	v4 =	vld [tilespmem:s16+$0x30];
	[tilespmem:s15+$0x1830 ss:$0x81] =	vst.msk $0xffff, v7  }
0x39: {  	v5 =	vld [tilespmem:s16+$0xFFFFFFD0];
	[tilespmem:s15+$0x2040 ss:$0x81] =	vst.msk $0xffff, v1  }
0x3a: {  	v58 =	vld [tilespmem:s16+$0xFFFFFFE0];
	[tilespmem:s15+$0x2850 ss:$0x81] =	vst.msk $0xffff, v2  }
0x3b: {  	s17 =	sshra.s32 s17, $0x2;
	v59 =	vld [tilespmem:s16+$0xFFFFFFF0];
	[tilespmem:s15+$0x3060 ss:$0x81] =	vst.msk $0xffff, v3  }
0x3c: {  	v60 =	vld [tilespmem:s16+$0x0];
	s14 =	sadd.s32 s17, s14;
	[tilespmem:s15+$0x0 ss:$0x81] =	vst.msk $0xffff, v0  }
0x3d: {  	v61 =	vld [tilespmem:s16+$0x10];
	[tilespmem:s14+$0x3870 ss:$0x81] =	vst.msk $0xffff, v4  }
0x3e: {  	v62 =	vld [tilespmem:s16+$0x20];
	s12 =	sshll.u32 s12, $0x7;
	s28 =	sshll.u32 s10, $0x3;
	[tilespmem:s14+$0x810 ss:$0x81] =	vst.msk $0xffff, v5  }
0x3f: {  	v63 =	vld [tilespmem:s16+$0xFFFFFFC0];
	s29 =	sand.u32 $0x1FC00, s12;
	s15 =	sand.u32 $0x1FC00, s28;
	[tilespmem:s14+$0x1020 ss:$0x81] =	vst.msk $0xffff, v58  }
0x40: {  	s11 =	sshll.u32 s11, $0xE;
	s12 =	sand.u32 $0x380, s12;
	s15 =	sadd.s32 s15, s29;
	[tilespmem:s14+$0x1830 ss:$0x81] =	vst.msk $0xffff, v59  }
.Ltmp4:
0x41: {  	s30 =	sshrl.u32 s10, $0x3;
	[tilespmem:s14+$0x2040 ss:$0x81] =	vst.msk $0xffff, v60;
	s12 =	sor.u32 s12, s15;
	(pc) =	sbr.rel .LBB1_5-.Ltmp4, $4  }
0x42: {  	s11 =	sadd.s32 s3, s11;
	[tilespmem:s14+$0x2850 ss:$0x81] =	vst.msk $0xffff, v61;
	s15 =	sand.u32 $0xF, s30;
	s12 =	sshrl.u32 s12, $0x3  }
0x43: {  	[tilespmem:s14+$0x3060 ss:$0x81] =	vst.msk $0xffff, v62;
	s11 =	sadd.s32 s15, s11;
	s12 =	sand.u32 $0x3FF0, s12  }
0x44: {  	s31 =	sand.u32 $0x7, s10;
	[tilespmem:s14+$0x0 ss:$0x81] =	vst.msk $0xffff, v63;
	s11 =	sadd.s32 s12, s11  }
0x45: {  	[hbm4b:s11+s31] =	stream.linear.scatter [tilespmem:s13], [sflag:$0x2], $0x4000, $0x20;
	[tilespmem:$0x10100] =	vst v63  }
.LBB1_6:
0x46: {  	_ =	sfence.sel $0x180000  }
0x47: {  	s2 =	simm.s32 $0x1;
	[bflag:$0x0] =	sbarrier.arrive $0xFFFF  }
0x48: {  	s31 =	simm.s32 $0x2;
	[sflag:s2] =	ssyncpa.u1 $0x1  }
0x49: {  	[sflag:s31] =	ssyncpa.u1 $0x1  }
0x4a: {  	p0 =	sne.s32 s1, $0x0;
	_ =	strace $0x9000004D  }
0x4b: {  	s0 =	sadd.s32 @!p0 $0x100000, s0;
	[bflag:$0x2] =	sbarrier.arrive $0xFFFF  }
0x4c: {  	[sflag:s0] =	ssyncadd.tile.s32 @!p0 $0x1;
	_ =	shalt  }
.Lfunc_end1:
_tile_overlayer_lowered:
.L_overlay_start_2:
0x4d: {  	(tag) =	ssettag $0x2  }
0x4e: {  	s0 =	rddreg [dreg:$0x0];
	s2 =	stileid.u32  }
0x4f: {  	s1 =	rddreg [dreg:$0x1];
	p0 =	sne.s32 s2, $0x0  }
0x50: {  	s3 =	rddreg [dreg:$0x2];
	[bflag:$0x3] =	sbarrier.arrive $0xFFFF;
	s2 =	simm.s32 @!p0 $0x1C01  }
0x51: {  	[timem:s3], [sflag:s2] =	dma.local @!p0 [hbm:s0], s1  }
0x52: {  	s0 =	simm.s32 @!p0 $0x1  }
0x53: {  	_ =	swait.ge @!p0 [sflag:s0], s1  }
0x54: {  	s1 =	ssub.s32 @!p0 $0x0, s1;
	[sflag:s0] =	ssyncset.done @!p0 $0x0  }
0x55: {  	[sflag:s0] =	ssyncadd.s32 @!p0 s1  }
0x56: {  	[bflag:$0x3] =	sbarrier.arrive $0xFFFF  }
0x57: {  	_ =	shalt  }

// kernel: sparse-core-data-format-call.2.cloned.1.call-start
scs
called_computation.2_lowered:
.L_overlay_start_0:
0x0: {  	s1 =	sld [smem:$0x3FD9]  }
0x1: {  	s2 =	sld [smem:$0x3FFE];
	_ =	sdelay $0x1  }
0x2: {  	s3 =	srdreg.scid  }
0x3: {  	s0 =	sand.u32 $0x1, s3  }
0x4: {  	s17 =	sshll.u32 s0, $0xA;
	s1 =	sadd.s32 s2, s1  }
0x5: {  	s1 =	sadd.s32 s1, s17  }
0x6: {  	[smem:$0x3FC3] =	sst s1  }
0x7: {  	_ = 	snop  }
0x8: {  	(tm) =	ssettm $0x1  }
0x9: {  	s18 =	sld [smem:$0x3FFB];
	_ =	sdelay $0x3  }
0xa: {  	_ =	strace s18  }
0xb: {  	s1 =	sld [smem:$0x3FFC];
	_ =	sdelay $0x3  }
0xc: {  	_ =	strace s1  }
0xd: {  	s1 =	sld [smem:$0x3FFD];
	_ =	sdelay $0x3  }
0xe: {  	_ =	strace s1  }
0xf: {  	_ =	strace $0x8FFFFFFF  }
0x10: {  	s19 =	sld [smem:$0x3FDB];
	_ =	sdelay $0x1  }
0x11: {  	s20 =	simm.s32 $_scs_section_size  }
0x12: {  	s4 =	simm.s32 $_size__tile_overlayer_lowered;
	s5 =	simm.s32 $_tile_overlayer_lowered  }
0x13: {  	s23 =	simm.s32 $0x1BFF;
	s22 =	sshll.u32 s5, $0x1;
	s1 =	sadd.s32 s20, s19  }
0x14: {  	s6 =	simm.s32 $0x0;
	s21 =	sshll.u32 s4, $0x1;
	s4 =	sadd.s32 s22, s1  }
0x15: {  	[timem:s6], [sflag:s23] =	dma.local [hbm:s4], s21  }
0x16: {  	_ =	swait.ge [sflag:s23], s21  }
0x17: {  	s2 =	ssub.s32 $0x0, s21;
	[sflag:s23] =	ssyncset.done $0x0  }
0x18: {  	[sflag:s23] =	ssyncadd.s32 s2;
	_ =	sdelay $0x1  }
0x19: {  	s24 =	simm.s32 $0x1B8B  }
0x1a: {  	_ =	swait.ge [sflag:s24], $0x1  }
0x1b: {  	[sflag:s24] =	ssyncset.done $0x0  }
0x1c: {  	s26 =	simm.s32 $0x1B8E;
	s25 =	sld [smem:$0x3FFE];
	[sflag:s24] =	ssyncadd.s32 $0xFFFFFFFF  }
0x1d: {  	s27 =	simm.s32 $execute0_lowered;
	[smem:$0x3FD2] =	sst s26  }
0x1e: {  	s4 =	sshll.u32 s27, $0x1;
	_ =	strace $0x80000046;
	[dreg:$0x1] =	wrdreg $0xFFFFFFFF  }
0x1f: {  	s28 =	simm.s32 $_size_execute0_lowered;
	s1 =	sadd.s32 s1, s4;
	[dreg:$0x0] =	wrdreg $0x0  }
0x20: {  	s4 =	sshll.u32 s28, $0x1;
	[dreg:$0x2] =	wrdreg s1  }
0x21: {  	[dreg:$0x3] =	wrdreg s4  }
0x22: {  	[dreg:$0x4] =	wrdreg $0xC0  }
0x23: {  	_ =	task [dreg:s6], $0x5FFFF  }
0x24: {  	[dreg:$0x1] =	wrdreg $0xFFFFFFFF  }
0x25: {  	[dreg:$0x0] =	wrdreg $0x60  }
0x26: {  	[dreg:$0x2] =	wrdreg s25  }
0x27: {  	[dreg:$0x3] =	wrdreg $0x9  }
0x28: {  	_ =	task.clear_ibuf [dreg:s6], $0x4FFFF;
	_ =	strace $0x90000046  }
0x29: {  	s29 =	simm.s32 $0x9;
	_ =	strace $0x80000048  }
0x2a: {  	_ =	swait.ge [sflag:s29], $0x1  }
0x2b: {  	[sflag:s29] =	ssyncadd.s32 $0xFFFFFFFF  }
0x2c: {  	_ =	strace $0x90000048  }
0x2d: {  	_ =	sfence  }
0x2e: {  	s30 =	sld [smem:$0x0];
	_ =	sdelay $0x2  }
0x2f: {  	s31 =	sshll.u32 s3, $0xD;
	s3 =	sshrl.u32 s3, $0x2  }
0x30: {  	s2 =	sand.u32 $0x4000, s31;
	s1 =	sadd.s32 s3, s30  }
0x31: {  	s0 =	sor.u32 s2, s0;
	s1 =	sshll.u32 s1, $0x11  }
0x32: {  	s0 =	sor.u32 s1, s0  }
0x33: {  	s0 =	sadd.s32 $0x8F2B, s0  }
0x34: {  	[sflag:s0] =	ssyncadd.remote.s32 $0x1  }
0x35: {  	_ =	sfence.sel $0xFFFF  }
0x36: {  	[dreg:$0x0] =	wrdreg $0xFFFFFFFF;
	(pc) =	sbr.abs _section_cstart, $3  }
0x37: {  	[dreg:$0x1] =	wrdreg $0xFFFFFFFF  }
0x38: {  	_ =	task.clear_ibuf [dreg:s6], $0x2FFFF;
	_ =	strace $0x9FFFFFFF  }
0x39: {  	(tm) =	ssettm $0x7FFFFFFF  }
tec
execute0_lowered:
.L_overlay_start_1:
0x0: {  	(tag) =	ssettag $0x1  }
0x1: {  	s4 =	rddreg [dreg:$0x0]  }
0x2: {  	s0 =	rddreg [dreg:$0x1];
	_ =	strace $0x80000047;
	s3 =	srdreg.scid  }
0x3: {  	s1 =	stileid.u32;
	s6 =	simm.s32 $0x2;
	s10 =	simm.s32 $0x0  }
.Ltmp0:
0x4: {  	p0 =	por $0x0, $0x0;
	s11 =	simm.s32 $0x0;
	(pc) =	sbr.rel .LBB1_1-.Ltmp0, $4  }
0x5: {  	s8 =	simm.s32 $0x0;
	s7 =	simm.s32 $0x0;
	s5 =	sshll.u32 s3, $0x4  }
0x6: {  	s2 =	sadd.s32 $0x411200, s4;
	s3 =	simm.s32 $0x1;
	s5 =	sand.u32 $0x10, s5  }
0x7: {  	s4 =	sadd.s32 $0x11200, s4;
	[sflag:s3] =	ssyncpa.u1 $0x0;
	s5 =	sor.u32 s1, s5  }
0x8: {  	[sflag:s6] =	ssyncpa.u1 $0x0;
	s6 =	simm.s32 $0x40000;
	s9 =	smov.u32 s5  }
.LBB1_5:
0x9: {  	s12 =	sadd.s32 $0x80, s8  }
0xa: {  	s10 =	sadd.s32 $0x20, s9;
	s14 =	smov.u32 s9;
	p2 =	sgt.s32 s12, $0x3FF  }
0xb: {  	p1 =	slt.u32 s7, $0x2;
	s14 =	smov.u32 @p2 s10  }
0xc: {  	s7 =	sadd.s32 $0x1, s7;
	s12 =	simm.s32 @p2 $0x0;
	p2 =	sgt.s32 s14, $0xFF  }
0xd: {  	s14 =	smov.u32 @p2 s5;
	p2 =	sne.s32 s7, $0x42  }
.Ltmp1:
0xe: {  	_ = 	snop;
	(pc) =	sbr.rel @!p2 .LBB1_6-.Ltmp1, $4  }
0xf: {  	s13 =	simm.s32 @!p1 $0x2  }
0x10: {  	s11 =	smov.u32 s9;
	_ =	swait.ge @!p1 [sflag:s13], $0x4000  }
0x11: {  	p0 =	por !p0, !p0;
	s10 =	smov.u32 s8;
	[sflag:s13] =	ssyncset.done @!p1 $0x0  }
0x12: {  	s8 =	smov.u32 s12;
	[sflag:s13] =	ssyncadd.s32 @!p1 $0xFFFFC000;
	s9 =	smov.u32 s14  }
.LBB1_1:
0x13: {  	p1 =	sgt.u32 s7, $0x3F  }
0x14: {  	s12 =	sxor.u32 @!p1 $0xFFFFFFFF, s7;
	s13 =	sshll.u32 @!p1 s9, $0xE;
	s14 =	sshll.u32 @!p1 s8, $0x4  }
0x15: {  	s12 =	sshll.u32 @!p1 s12, $0xE;
	s14 =	sand.u32 @!p1 $0x3FF0, s14;
	s13 =	sadd.s32 @!p1 s2, s13  }
0x16: {  	s12 =	sand.u32 @!p1 $0x4000, s12;
	s13 =	sadd.s32 @!p1 s14, s13;
	s14 =	simm.s32 @!p1 $0x0  }
0x17: {  	[tilespmem:s12], [sflag:$0x1] =	stream.linear.gather @!p1 [hbm4b:s13+s14], $0x4000, $0x38;
	[tilespmem:$0x10100] =	vst v63  }
0x18: {  	p1 =	seq.s32 s7, $0x0  }
0x19: {  	p2 =	seq.s32 @!p1 s7, $0x41  }
0x1a: {  	p1 =	por p1, p2  }
.Ltmp2:
0x1b: {  	_ = 	snop;
	(pc) =	sbr.rel @p1 .LBB1_5-.Ltmp2, $1  }
0x1c: {  	_ =	sdelay $0x3  }
0x1d: {  	s12 =	simm.s32 $0x1  }
0x1e: {  	_ =	swait.ge [sflag:s3], $0x4000;
	s12 =	simm.s32 @!p0 $0x0  }
0x1f: {  	[sflag:s3] =	ssyncset.done $0x0;
	s13 =	sshll.u32 s12, $0xE  }
0x20: {  	[sflag:s3] =	ssyncadd.s32 $0xFFFFC000;
	s15 =	sor.u32 $0x40, s13  }
0x21: {  	s12 =	smul.u32 $0x10200, s12;
	v0 =	vld [tilespmem:s15+$0x30]  }
0x22: {  	v3 =	vld [tilespmem:s15+$0xFFFFFFD0]  }
0x23: {  	s12 =	sshrl.u32 s12, $0x2;
	v4 =	vld [tilespmem:s15+$0xFFFFFFE0]  }
0x24: {  	v5 =	vld [tilespmem:s15+$0xFFFFFFF0];
	s13 =	sor.u32 $0x8000, s12  }
0x25: {  	s31 =	sand.u32 $0x1, s7;
	v1 =	vld [tilespmem:s15+$0x0];
	s14 =	sadd.s32 $0x0, s13  }
0x26: {  	v2 =	vld [tilespmem:s15+$0x10];
	s12 =	smul.u32 $0x10200, s31;
	[tilespmem:s14+$0x3870 ss:$0x81] =	vst.msk $0xffff, v0  }
0x27: {  	[tilespmem:s14+$0x810 ss:$0x81] =	vst.msk $0xffff, v3;
	v3 =	vld [tilespmem:s15+$0x20]  }
0x28: {  	s12 =	sshrl.u32 s12, $0x2;
	v0 =	vld [tilespmem:s15+$0xFFFFFFC0];
	[tilespmem:s14+$0x1020 ss:$0x81] =	vst.msk $0xffff, v4;
	s15 =	sadd.s32 $0x80, s15  }
0x29: {  	s16 =	simm.s32 $0x4;
	s17 =	simm.s32 $0x8;
	s12 =	sor.u32 $0x8000, s12;
	[tilespmem:s14+$0x1830 ss:$0x81] =	vst.msk $0xffff, v5;
	v4 =	vld [tilespmem:s15+$0x30]  }
.LBB1_3:
0x2a: {  	p1 =	sne.s32 s17, $0x1FC;
	v5 =	vld [tilespmem:s15+$0xFFFFFFD0];
	[tilespmem:s14+$0x2040 ss:$0x81] =	vst.msk $0xffff, v1  }
0x2b: {  	v6 =	vld [tilespmem:s15+$0xFFFFFFE0];
	[tilespmem:s14+$0x2850 ss:$0x81] =	vst.msk $0xffff, v2  }
0x2c: {  	s18 =	sshra.s32 s16, $0x2;
	s16 =	smov.u32 s17;
	v7 =	vld [tilespmem:s15+$0xFFFFFFF0];
	[tilespmem:s14+$0x3060 ss:$0x81] =	vst.msk $0xffff, v3  }
.Ltmp3:
0x2d: {  	v1 =	vld [tilespmem:s15+$0x0];
	[tilespmem:s14+$0x0 ss:$0x81] =	vst.msk $0xffff, v0;
	s14 =	sadd.s32 s18, s13;
	(pc) =	sbr.rel @p1 .LBB1_3-.Ltmp3, $4  }
0x2e: {  	v2 =	vld [tilespmem:s15+$0x10];
	[tilespmem:s14+$0x3870 ss:$0x81] =	vst.msk $0xffff, v4  }
0x2f: {  	[tilespmem:s14+$0x810 ss:$0x81] =	vst.msk $0xffff, v5;
	v3 =	vld [tilespmem:s15+$0x20]  }
0x30: {  	v0 =	vld [tilespmem:s15+$0xFFFFFFC0];
	[tilespmem:s14+$0x1020 ss:$0x81] =	vst.msk $0xffff, v6;
	s15 =	sadd.s32 $0x80, s15  }
0x31: {  	s17 =	sadd.s32 $0x4, s17;
	v4 =	vld [tilespmem:s15+$0x30];
	[tilespmem:s14+$0x1830 ss:$0x81] =	vst.msk $0xffff, v7  }
0x32: {  	v5 =	vld [tilespmem:s15+$0xFFFFFFD0];
	[tilespmem:s14+$0x2040 ss:$0x81] =	vst.msk $0xffff, v1  }
0x33: {  	v58 =	vld [tilespmem:s15+$0xFFFFFFE0];
	[tilespmem:s14+$0x2850 ss:$0x81] =	vst.msk $0xffff, v2  }
0x34: {  	s16 =	sshra.s32 s16, $0x2;
	v59 =	vld [tilespmem:s15+$0xFFFFFFF0];
	[tilespmem:s14+$0x3060 ss:$0x81] =	vst.msk $0xffff, v3  }
0x35: {  	v60 =	vld [tilespmem:s15+$0x0];
	s13 =	sadd.s32 s16, s13;
	[tilespmem:s14+$0x0 ss:$0x81] =	vst.msk $0xffff, v0  }
0x36: {  	v61 =	vld [tilespmem:s15+$0x10];
	[tilespmem:s13+$0x3870 ss:$0x81] =	vst.msk $0xffff, v4  }
0x37: {  	v62 =	vld [tilespmem:s15+$0x20];
	s27 =	sshll.u32 s11, $0xA;
	[tilespmem:s13+$0x810 ss:$0x81] =	vst.msk $0xffff, v5  }
0x38: {  	v63 =	vld [tilespmem:s15+$0xFFFFFFC0];
	s28 =	sshll.u32 s10, $0x3;
	s29 =	sshll.u32 s11, $0x7;
	s14 =	sand.u32 $0x3E000, s27;
	[tilespmem:s13+$0x1020 ss:$0x81] =	vst.msk $0xffff, v58  }
0x39: {  	s30 =	sand.u32 $0x78, s10;
	s11 =	sand.u32 $0x380, s29;
	s14 =	sadd.s32 s14, s28;
	[tilespmem:s13+$0x1830 ss:$0x81] =	vst.msk $0xffff, v59  }
.Ltmp4:
0x3a: {  	s11 =	sor.u32 s11, s30;
	[tilespmem:s13+$0x2040 ss:$0x81] =	vst.msk $0xffff, v60;
	s14 =	sand.u32 $0x3FC00, s14;
	(pc) =	sbr.rel .LBB1_5-.Ltmp4, $4  }
0x3b: {  	s31 =	sand.u32 $0x7, s10;
	[tilespmem:s13+$0x2850 ss:$0x81] =	vst.msk $0xffff, v61;
	s11 =	sor.u32 s14, s11  }
0x3c: {  	s10 =	sshll.u32 s31, $0x12;
	[tilespmem:s13+$0x3060 ss:$0x81] =	vst.msk $0xffff, v62;
	s11 =	sshrl.u32 s11, $0x3  }
0x3d: {  	s10 =	sor.u32 $0x80, s10;
	[tilespmem:s13+$0x0 ss:$0x81] =	vst.msk $0xffff, v63;
	s11 =	sadd.s32 s4, s11  }
0x3e: {  	[hbm4b:s11+s10] =	stream.strided.scatter [tilespmem:s12], [sflag:$0x2], $0x4000, s6, s10, $0x20;
	[tilespmem:$0x10100] =	vst v63  }
.LBB1_6:
0x3f: {  	_ =	sfence.sel $0x180000  }
0x40: {  	s2 =	simm.s32 $0x1;
	[bflag:$0x0] =	sbarrier.arrive $0xFFFF  }
0x41: {  	s31 =	simm.s32 $0x2;
	[sflag:s2] =	ssyncpa.u1 $0x1  }
0x42: {  	[sflag:s31] =	ssyncpa.u1 $0x1  }
0x43: {  	p0 =	sne.s32 s1, $0x0;
	_ =	strace $0x90000047  }
0x44: {  	s0 =	sadd.s32 @!p0 $0x100000, s0;
	[bflag:$0x2] =	sbarrier.arrive $0xFFFF  }
0x45: {  	[sflag:s0] =	ssyncadd.tile.s32 @!p0 $0x1;
	_ =	shalt  }
.Lfunc_end1:
_tile_overlayer_lowered:
.L_overlay_start_2:
0x46: {  	(tag) =	ssettag $0x2  }
0x47: {  	s0 =	rddreg [dreg:$0x0];
	s2 =	stileid.u32  }
0x48: {  	s1 =	rddreg [dreg:$0x1];
	p0 =	sne.s32 s2, $0x0  }
0x49: {  	s3 =	rddreg [dreg:$0x2];
	[bflag:$0x3] =	sbarrier.arrive $0xFFFF;
	s2 =	simm.s32 @!p0 $0x1C01  }
0x4a: {  	[timem:s3], [sflag:s2] =	dma.local @!p0 [hbm:s0], s1  }
0x4b: {  	s0 =	simm.s32 @!p0 $0x1  }
0x4c: {  	_ =	swait.ge @!p0 [sflag:s0], s1  }
0x4d: {  	s1 =	ssub.s32 @!p0 $0x0, s1;
	[sflag:s0] =	ssyncset.done @!p0 $0x0  }
0x4e: {  	[sflag:s0] =	ssyncadd.s32 @!p0 s1  }
0x4f: {  	[bflag:$0x3] =	sbarrier.arrive $0xFFFF  }
0x50: {  	_ =	shalt  }

// kernel: sparse-core-data-format-call.3.cloned.1.call-start
scs
called_computation.3_lowered:
.L_overlay_start_0:
0x0: {  	s2 =	sld [smem:$0x3FD9]  }
0x1: {  	s3 =	sld [smem:$0x3FFE];
	_ =	sdelay $0x1  }
0x2: {  	s1 =	srdreg.scid  }
0x3: {  	s0 =	sand.u32 $0x1, s1  }
0x4: {  	s17 =	sshll.u32 s0, $0xA;
	s2 =	sadd.s32 s3, s2  }
0x5: {  	s2 =	sadd.s32 s2, s17  }
0x6: {  	[smem:$0x3FC3] =	sst s2  }
0x7: {  	_ = 	snop  }
0x8: {  	s2 =	sld [smem:$0x3FD0];
	_ =	sdelay $0x2  }
0x9: {  	s4 =	simm.s32 $0xB;
	s18 =	simm.s32 $0x10  }
0xa: {  	[smem:s18], [sflag:s4] =	dma.local [hbm:s2], $0x1  }
0xb: {  	_ =	swait.eq [sflag:s4], $0x1  }
0xc: {  	[sflag:s4] =	ssyncset.done $0x0  }
0xd: {  	s19 =	sld [smem:$0x13];
	[sflag:s4] =	ssyncadd.s32 $0xFFFFFFFF  }
0xe: {  	s20 =	sld [smem:$0x14];
	(tm) =	ssettm $0x1  }
0xf: {  	s21 =	sld [smem:$0x3FFB];
	_ =	sdelay $0x3  }
0x10: {  	_ =	strace s21  }
0x11: {  	s2 =	sld [smem:$0x3FFC];
	_ =	sdelay $0x3  }
0x12: {  	_ =	strace s2  }
0x13: {  	s2 =	sld [smem:$0x3FFD];
	_ =	sdelay $0x3  }
0x14: {  	_ =	strace s2  }
0x15: {  	_ =	strace $0x8FFFFFFF  }
0x16: {  	s22 =	sld [smem:$0x3FDB];
	_ =	sdelay $0x1  }
0x17: {  	s5 =	simm.s32 $_scs_section_size  }
0x18: {  	s6 =	simm.s32 $_size__tile_overlayer_lowered;
	s7 =	simm.s32 $_tile_overlayer_lowered  }
0x19: {  	s8 =	simm.s32 $0x1BFF;
	s23 =	sshll.u32 s7, $0x1;
	s5 =	sadd.s32 s5, s22  }
0x1a: {  	s24 =	simm.s32 $0x0;
	s6 =	sshll.u32 s6, $0x1;
	s7 =	sadd.s32 s23, s5  }
0x1b: {  	[timem:s24], [sflag:s8] =	dma.local [hbm:s7], s6  }
0x1c: {  	_ =	swait.ge [sflag:s8], s6  }
0x1d: {  	s6 =	ssub.s32 $0x0, s6;
	[sflag:s8] =	ssyncset.done $0x0  }
0x1e: {  	[sflag:s8] =	ssyncadd.s32 s6;
	_ =	sdelay $0x1  }
0x1f: {  	s25 =	simm.s32 $0x1B8B  }
0x20: {  	_ =	swait.ge [sflag:s25], $0x1  }
0x21: {  	[sflag:s25] =	ssyncset.done $0x0  }
0x22: {  	[sflag:s25] =	ssyncadd.s32 $0xFFFFFFFF  }
0x23: {  	s6 =	sld [smem:$0x0]  }
0x24: {  	s7 =	sand.u32 $0xFFFFFFFE, s1  }
0x25: {  	p0 =	sne.s32 s1, s7  }
0x26: {  	s7 =	sshll.u32 @p0 s7, $0xE  }
0x27: {  	s7 =	sadd.s32 @p0 $0x11B8D, s7;
	s8 =	sshll.u32 @p0 s6, $0x11  }
0x28: {  	s7 =	sor.u32 @p0 s8, s7  }
0x29: {  	[sflag:s7] =	ssyncadd.remote.s32 @p0 $0x1;
	_ =	sdelay $0x1  }
0x2a: {  	s7 =	simm.s32 @p0 $0x1B8D  }
0x2b: {  	_ =	swait.eq @p0 [sflag:s7], $0x1  }
0x2c: {  	[sflag:s7] =	ssyncadd.s32 @p0 $0xFFFFFFFF  }
0x2d: {  	s8 =	sshll.u32 @!p0 s1, $0xE  }
0x2e: {  	s8 =	sor.u32 @!p0 $0x4000, s8;
	s7 =	simm.s32 @!p0 $0x1B8D  }
0x2f: {  	s6 =	sshll.u32 @!p0 s6, $0x11;
	s8 =	sadd.s32 @!p0 $0x11B8D, s8;
	_ =	swait.eq @!p0 [sflag:s7], $0x1  }
0x30: {  	s6 =	sor.u32 @!p0 s6, s8;
	[sflag:s7] =	ssyncadd.s32 @!p0 $0xFFFFFFFF  }
0x31: {  	s26 =	simm.s32 $0x1B8E;
	[sflag:s6] =	ssyncadd.remote.s32 @!p0 $0x1  }
0x32: {  	s27 =	simm.s32 $execute0_lowered;
	[smem:$0x3FD2] =	sst s26  }
0x33: {  	s6 =	sshll.u32 s27, $0x1;
	_ =	strace $0x80000049;
	[dreg:$0x1] =	wrdreg $0xFFFFFFFF  }
0x34: {  	s28 =	simm.s32 $_size_execute0_lowered;
	s5 =	sadd.s32 s5, s6;
	[dreg:$0x0] =	wrdreg $0x0  }
0x35: {  	s6 =	sshll.u32 s28, $0x1;
	[dreg:$0x2] =	wrdreg s5  }
0x36: {  	[dreg:$0x3] =	wrdreg s6  }
0x37: {  	[dreg:$0x4] =	wrdreg $0xC0  }
0x38: {  	_ =	task [dreg:s24], $0x5FFFF  }
0x39: {  	[dreg:$0x1] =	wrdreg $0xFFFFFFFF  }
0x3a: {  	[dreg:$0x0] =	wrdreg $0x60  }
0x3b: {  	[dreg:$0x2] =	wrdreg s20  }
0x3c: {  	[dreg:$0x3] =	wrdreg s19  }
0x3d: {  	[dreg:$0x4] =	wrdreg $0xA  }
0x3e: {  	_ =	task.clear_ibuf [dreg:s24], $0x5FFFF;
	_ =	strace $0x90000049  }
0x3f: {  	s29 =	simm.s32 $0xA;
	_ =	strace $0x8000004B  }
0x40: {  	_ =	swait.ge [sflag:s29], $0x1  }
0x41: {  	[sflag:s29] =	ssyncadd.s32 $0xFFFFFFFF  }
0x42: {  	_ =	strace $0x9000004B  }
0x43: {  	_ =	sfence  }
0x44: {  	s30 =	sld [smem:$0x0];
	_ =	sdelay $0x2  }
0x45: {  	s31 =	sshll.u32 s1, $0xD;
	s1 =	sshrl.u32 s1, $0x2  }
0x46: {  	s4 =	sand.u32 $0x4000, s31;
	s1 =	sadd.s32 s1, s30  }
0x47: {  	s0 =	sor.u32 s4, s0;
	s1 =	sshll.u32 s1, $0x11  }
0x48: {  	s0 =	sor.u32 s1, s0  }
0x49: {  	s0 =	sadd.s32 $0x8F2B, s0  }
0x4a: {  	[sflag:s0] =	ssyncadd.remote.s32 $0x1  }
0x4b: {  	_ =	sfence.sel $0xFFFF  }
0x4c: {  	[dreg:$0x0] =	wrdreg $0xFFFFFFFF;
	(pc) =	sbr.abs _section_cstart, $3  }
0x4d: {  	[dreg:$0x1] =	wrdreg $0xFFFFFFFF  }
0x4e: {  	_ =	task.clear_ibuf [dreg:s24], $0x2FFFF;
	_ =	strace $0x9FFFFFFF  }
0x4f: {  	(tm) =	ssettm $0x7FFFFFFF  }
tec
execute0_lowered:
.L_overlay_start_1:
0x0: {  	(tag) =	ssettag $0x1  }
0x1: {  	s2 =	rddreg [dreg:$0x0]  }
0x2: {  	s3 =	rddreg [dreg:$0x1]  }
0x3: {  	s0 =	rddreg [dreg:$0x2]  }
0x4: {  	_ =	strace $0x8000004A;
	s4 =	srdreg.scid;
	s1 =	stileid.u32  }
.Ltmp0:
0x5: {  	s6 =	simm.s32 $0x2;
	s10 =	simm.s32 $0x0;
	(pc) =	sbr.rel .LBB1_1-.Ltmp0, $4  }
0x6: {  	p0 =	por $0x0, $0x0;
	s11 =	simm.s32 $0x0;
	s5 =	sshll.u32 s4, $0x4  }
0x7: {  	s8 =	simm.s32 $0x0;
	s4 =	simm.s32 $0x1;
	s5 =	sand.u32 $0x10, s5  }
0x8: {  	s7 =	simm.s32 $0x0;
	[sflag:s4] =	ssyncpa.u1 $0x0;
	s5 =	sor.u32 s1, s5  }
0x9: {  	[sflag:s6] =	ssyncpa.u1 $0x0;
	s6 =	simm.s32 $0x40000;
	s9 =	smov.u32 s5  }
.LBB1_5:
0xa: {  	s12 =	sadd.s32 $0x80, s8  }
0xb: {  	s10 =	sadd.s32 $0x20, s9;
	s14 =	smov.u32 s9;
	p2 =	sgt.s32 s12, $0x3FF  }
0xc: {  	p1 =	slt.u32 s7, $0x2;
	s14 =	smov.u32 @p2 s10  }
0xd: {  	s7 =	sadd.s32 $0x1, s7;
	s12 =	simm.s32 @p2 $0x0;
	p2 =	sgt.s32 s14, $0xFF  }
0xe: {  	s14 =	smov.u32 @p2 s5;
	p2 =	sne.s32 s7, $0x42  }
.Ltmp1:
0xf: {  	_ = 	snop;
	(pc) =	sbr.rel @!p2 .LBB1_6-.Ltmp1, $4  }
0x10: {  	s13 =	simm.s32 @!p1 $0x2  }
0x11: {  	s11 =	smov.u32 s9;
	_ =	swait.ge @!p1 [sflag:s13], $0x4000  }
0x12: {  	p0 =	por !p0, !p0;
	s10 =	smov.u32 s8;
	[sflag:s13] =	ssyncset.done @!p1 $0x0  }
0x13: {  	s8 =	smov.u32 s12;
	[sflag:s13] =	ssyncadd.s32 @!p1 $0xFFFFC000;
	s9 =	smov.u32 s14  }
.LBB1_1:
0x14: {  	p1 =	sgt.u32 s7, $0x3F  }
0x15: {  	s12 =	sxor.u32 @!p1 $0xFFFFFFFF, s7;
	s13 =	sshll.u32 @!p1 s9, $0xE;
	s14 =	sshll.u32 @!p1 s8, $0x4  }
0x16: {  	s12 =	sshll.u32 @!p1 s12, $0xE;
	s14 =	sand.u32 @!p1 $0x3FF0, s14;
	s13 =	sadd.s32 @!p1 s2, s13  }
0x17: {  	s12 =	sand.u32 @!p1 $0x4000, s12;
	s13 =	sadd.s32 @!p1 s14, s13;
	s14 =	simm.s32 @!p1 $0x0  }
0x18: {  	[tilespmem:s12], [sflag:$0x1] =	stream.linear.gather @!p1 [hbm4b:s13+s14], $0x4000, $0x38;
	[tilespmem:$0x10100] =	vst v63  }
0x19: {  	p1 =	seq.s32 s7, $0x0  }
0x1a: {  	p2 =	seq.s32 @!p1 s7, $0x41  }
0x1b: {  	p1 =	por p1, p2  }
.Ltmp2:
0x1c: {  	_ = 	snop;
	(pc) =	sbr.rel @p1 .LBB1_5-.Ltmp2, $1  }
0x1d: {  	_ =	sdelay $0x3  }
0x1e: {  	s12 =	simm.s32 $0x1  }
0x1f: {  	_ =	swait.ge [sflag:s4], $0x4000;
	s12 =	simm.s32 @!p0 $0x0  }
0x20: {  	[sflag:s4] =	ssyncset.done $0x0;
	s13 =	sshll.u32 s12, $0xE  }
0x21: {  	[sflag:s4] =	ssyncadd.s32 $0xFFFFC000;
	s15 =	sor.u32 $0x40, s13  }
0x22: {  	s12 =	smul.u32 $0x10200, s12;
	v0 =	vld [tilespmem:s15+$0x30]  }
0x23: {  	v3 =	vld [tilespmem:s15+$0xFFFFFFD0]  }
0x24: {  	s12 =	sshrl.u32 s12, $0x2;
	v4 =	vld [tilespmem:s15+$0xFFFFFFE0]  }
0x25: {  	v5 =	vld [tilespmem:s15+$0xFFFFFFF0];
	s13 =	sor.u32 $0x8000, s12  }
0x26: {  	s31 =	sand.u32 $0x1, s7;
	v1 =	vld [tilespmem:s15+$0x0];
	s14 =	sadd.s32 $0x0, s13  }
0x27: {  	v2 =	vld [tilespmem:s15+$0x10];
	s12 =	smul.u32 $0x10200, s31;
	[tilespmem:s14+$0x3870 ss:$0x81] =	vst.msk $0xffff, v0  }
0x28: {  	[tilespmem:s14+$0x810 ss:$0x81] =	vst.msk $0xffff, v3;
	v3 =	vld [tilespmem:s15+$0x20]  }
0x29: {  	s12 =	sshrl.u32 s12, $0x2;
	v0 =	vld [tilespmem:s15+$0xFFFFFFC0];
	[tilespmem:s14+$0x1020 ss:$0x81] =	vst.msk $0xffff, v4;
	s15 =	sadd.s32 $0x80, s15  }
0x2a: {  	s16 =	simm.s32 $0x4;
	s17 =	simm.s32 $0x8;
	s12 =	sor.u32 $0x8000, s12;
	[tilespmem:s14+$0x1830 ss:$0x81] =	vst.msk $0xffff, v5;
	v4 =	vld [tilespmem:s15+$0x30]  }
.LBB1_3:
0x2b: {  	p1 =	sne.s32 s17, $0x1FC;
	v5 =	vld [tilespmem:s15+$0xFFFFFFD0];
	[tilespmem:s14+$0x2040 ss:$0x81] =	vst.msk $0xffff, v1  }
0x2c: {  	v6 =	vld [tilespmem:s15+$0xFFFFFFE0];
	[tilespmem:s14+$0x2850 ss:$0x81] =	vst.msk $0xffff, v2  }
0x2d: {  	s18 =	sshra.s32 s16, $0x2;
	s16 =	smov.u32 s17;
	v7 =	vld [tilespmem:s15+$0xFFFFFFF0];
	[tilespmem:s14+$0x3060 ss:$0x81] =	vst.msk $0xffff, v3  }
.Ltmp3:
0x2e: {  	v1 =	vld [tilespmem:s15+$0x0];
	[tilespmem:s14+$0x0 ss:$0x81] =	vst.msk $0xffff, v0;
	s14 =	sadd.s32 s18, s13;
	(pc) =	sbr.rel @p1 .LBB1_3-.Ltmp3, $4  }
0x2f: {  	v2 =	vld [tilespmem:s15+$0x10];
	[tilespmem:s14+$0x3870 ss:$0x81] =	vst.msk $0xffff, v4  }
0x30: {  	[tilespmem:s14+$0x810 ss:$0x81] =	vst.msk $0xffff, v5;
	v3 =	vld [tilespmem:s15+$0x20]  }
0x31: {  	v0 =	vld [tilespmem:s15+$0xFFFFFFC0];
	[tilespmem:s14+$0x1020 ss:$0x81] =	vst.msk $0xffff, v6;
	s15 =	sadd.s32 $0x80, s15  }
0x32: {  	s17 =	sadd.s32 $0x4, s17;
	v4 =	vld [tilespmem:s15+$0x30];
	[tilespmem:s14+$0x1830 ss:$0x81] =	vst.msk $0xffff, v7  }
0x33: {  	v5 =	vld [tilespmem:s15+$0xFFFFFFD0];
	[tilespmem:s14+$0x2040 ss:$0x81] =	vst.msk $0xffff, v1  }
0x34: {  	v58 =	vld [tilespmem:s15+$0xFFFFFFE0];
	[tilespmem:s14+$0x2850 ss:$0x81] =	vst.msk $0xffff, v2  }
0x35: {  	s16 =	sshra.s32 s16, $0x2;
	v59 =	vld [tilespmem:s15+$0xFFFFFFF0];
	[tilespmem:s14+$0x3060 ss:$0x81] =	vst.msk $0xffff, v3  }
0x36: {  	v60 =	vld [tilespmem:s15+$0x0];
	s13 =	sadd.s32 s16, s13;
	[tilespmem:s14+$0x0 ss:$0x81] =	vst.msk $0xffff, v0  }
0x37: {  	v61 =	vld [tilespmem:s15+$0x10];
	[tilespmem:s13+$0x3870 ss:$0x81] =	vst.msk $0xffff, v4  }
0x38: {  	v62 =	vld [tilespmem:s15+$0x20];
	s27 =	sshll.u32 s11, $0xA;
	[tilespmem:s13+$0x810 ss:$0x81] =	vst.msk $0xffff, v5  }
0x39: {  	v63 =	vld [tilespmem:s15+$0xFFFFFFC0];
	s28 =	sshll.u32 s10, $0x3;
	s29 =	sshll.u32 s11, $0x7;
	s14 =	sand.u32 $0x3E000, s27;
	[tilespmem:s13+$0x1020 ss:$0x81] =	vst.msk $0xffff, v58  }
0x3a: {  	s30 =	sand.u32 $0x78, s10;
	s11 =	sand.u32 $0x380, s29;
	s14 =	sadd.s32 s14, s28;
	[tilespmem:s13+$0x1830 ss:$0x81] =	vst.msk $0xffff, v59  }
.Ltmp4:
0x3b: {  	s11 =	sor.u32 s11, s30;
	[tilespmem:s13+$0x2040 ss:$0x81] =	vst.msk $0xffff, v60;
	s14 =	sand.u32 $0x3FC00, s14;
	(pc) =	sbr.rel .LBB1_5-.Ltmp4, $4  }
0x3c: {  	s31 =	sand.u32 $0x7, s10;
	[tilespmem:s13+$0x2850 ss:$0x81] =	vst.msk $0xffff, v61;
	s11 =	sor.u32 s14, s11  }
0x3d: {  	s10 =	sshll.u32 s31, $0x12;
	[tilespmem:s13+$0x3060 ss:$0x81] =	vst.msk $0xffff, v62;
	s11 =	sshrl.u32 s11, $0x3  }
0x3e: {  	s10 =	sor.u32 $0x80, s10;
	[tilespmem:s13+$0x0 ss:$0x81] =	vst.msk $0xffff, v63;
	s11 =	sadd.s32 s3, s11  }
0x3f: {  	[hbm4b:s11+s10] =	stream.strided.scatter [tilespmem:s12], [sflag:$0x2], $0x4000, s6, s10, $0x20;
	[tilespmem:$0x10100] =	vst v63  }
.LBB1_6:
0x40: {  	_ =	sfence.sel $0x180000  }
0x41: {  	s2 =	simm.s32 $0x1;
	[bflag:$0x0] =	sbarrier.arrive $0xFFFF  }
0x42: {  	s31 =	simm.s32 $0x2;
	[sflag:s2] =	ssyncpa.u1 $0x1  }
0x43: {  	[sflag:s31] =	ssyncpa.u1 $0x1  }
0x44: {  	p0 =	sne.s32 s1, $0x0;
	_ =	strace $0x9000004A  }
0x45: {  	s0 =	sadd.s32 @!p0 $0x100000, s0;
	[bflag:$0x2] =	sbarrier.arrive $0xFFFF  }
0x46: {  	[sflag:s0] =	ssyncadd.tile.s32 @!p0 $0x1;
	_ =	shalt  }
.Lfunc_end1:
_tile_overlayer_lowered:
.L_overlay_start_2:
0x47: {  	(tag) =	ssettag $0x2  }
0x48: {  	s0 =	rddreg [dreg:$0x0];
	s2 =	stileid.u32  }
0x49: {  	s1 =	rddreg [dreg:$0x1];
	p0 =	sne.s32 s2, $0x0  }
0x4a: {  	s3 =	rddreg [dreg:$0x2];
	[bflag:$0x3] =	sbarrier.arrive $0xFFFF;
	s2 =	simm.s32 @!p0 $0x1C01  }
0x4b: {  	[timem:s3], [sflag:s2] =	dma.local @!p0 [hbm:s0], s1  }
0x4c: {  	s0 =	simm.s32 @!p0 $0x1  }
0x4d: {  	_ =	swait.ge @!p0 [sflag:s0], s1  }
0x4e: {  	s1 =	ssub.s32 @!p0 $0x0, s1;
	[sflag:s0] =	ssyncset.done @!p0 $0x0  }
0x4f: {  	[sflag:s0] =	ssyncadd.s32 @!p0 s1  }
0x50: {  	[bflag:$0x3] =	sbarrier.arrive $0xFFFF  }
0x51: {  	_ =	shalt  }

// kernel: sparse-core-data-format-call.cloned.1.call-start
scs
called_computation_lowered:
.L_overlay_start_0:
0x0: {  	s1 =	sld [smem:$0x3FD9]  }
0x1: {  	s2 =	sld [smem:$0x3FFE];
	_ =	sdelay $0x1  }
0x2: {  	s3 =	srdreg.scid  }
0x3: {  	s0 =	sand.u32 $0x1, s3  }
0x4: {  	s17 =	sshll.u32 s0, $0xA;
	s1 =	sadd.s32 s2, s1  }
0x5: {  	s1 =	sadd.s32 s1, s17  }
0x6: {  	[smem:$0x3FC3] =	sst s1  }
0x7: {  	_ = 	snop  }
0x8: {  	(tm) =	ssettm $0x1  }
0x9: {  	s18 =	sld [smem:$0x3FFB];
	_ =	sdelay $0x3  }
0xa: {  	_ =	strace s18  }
0xb: {  	s1 =	sld [smem:$0x3FFC];
	_ =	sdelay $0x3  }
0xc: {  	_ =	strace s1  }
0xd: {  	s1 =	sld [smem:$0x3FFD];
	_ =	sdelay $0x3  }
0xe: {  	_ =	strace s1  }
0xf: {  	_ =	strace $0x8FFFFFFF  }
0x10: {  	s19 =	sld [smem:$0x3FDB];
	_ =	sdelay $0x1  }
0x11: {  	s20 =	simm.s32 $_scs_section_size  }
0x12: {  	s4 =	simm.s32 $_size__tile_overlayer_lowered;
	s5 =	simm.s32 $_tile_overlayer_lowered  }
0x13: {  	s23 =	simm.s32 $0x1BFF;
	s22 =	sshll.u32 s5, $0x1;
	s1 =	sadd.s32 s20, s19  }
0x14: {  	s6 =	simm.s32 $0x0;
	s21 =	sshll.u32 s4, $0x1;
	s4 =	sadd.s32 s22, s1  }
0x15: {  	[timem:s6], [sflag:s23] =	dma.local [hbm:s4], s21  }
0x16: {  	_ =	swait.ge [sflag:s23], s21  }
0x17: {  	s2 =	ssub.s32 $0x0, s21;
	[sflag:s23] =	ssyncset.done $0x0  }
0x18: {  	[sflag:s23] =	ssyncadd.s32 s2;
	_ =	sdelay $0x1  }
0x19: {  	s24 =	simm.s32 $0x1B8B  }
0x1a: {  	_ =	swait.ge [sflag:s24], $0x1  }
0x1b: {  	[sflag:s24] =	ssyncset.done $0x0  }
0x1c: {  	s26 =	simm.s32 $0x1B8E;
	s25 =	sld [smem:$0x3FFE];
	[sflag:s24] =	ssyncadd.s32 $0xFFFFFFFF  }
0x1d: {  	s27 =	simm.s32 $execute0_lowered;
	[smem:$0x3FD2] =	sst s26  }
0x1e: {  	s4 =	sshll.u32 s27, $0x1;
	_ =	strace $0x8000004F;
	[dreg:$0x1] =	wrdreg $0xFFFFFFFF  }
0x1f: {  	s28 =	simm.s32 $_size_execute0_lowered;
	s1 =	sadd.s32 s1, s4;
	[dreg:$0x0] =	wrdreg $0x0  }
0x20: {  	s4 =	sshll.u32 s28, $0x1;
	[dreg:$0x2] =	wrdreg s1  }
0x21: {  	[dreg:$0x3] =	wrdreg s4  }
0x22: {  	[dreg:$0x4] =	wrdreg $0xC0  }
0x23: {  	_ =	task [dreg:s6], $0x5FFFF  }
0x24: {  	[dreg:$0x1] =	wrdreg $0xFFFFFFFF  }
0x25: {  	[dreg:$0x0] =	wrdreg $0x60  }
0x26: {  	[dreg:$0x2] =	wrdreg s25  }
0x27: {  	[dreg:$0x3] =	wrdreg $0x9  }
0x28: {  	_ =	task.clear_ibuf [dreg:s6], $0x4FFFF;
	_ =	strace $0x9000004F  }
0x29: {  	s29 =	simm.s32 $0x9;
	_ =	strace $0x80000051  }
0x2a: {  	_ =	swait.ge [sflag:s29], $0x1  }
0x2b: {  	[sflag:s29] =	ssyncadd.s32 $0xFFFFFFFF  }
0x2c: {  	_ =	strace $0x90000051  }
0x2d: {  	_ =	sfence  }
0x2e: {  	s30 =	sld [smem:$0x0];
	_ =	sdelay $0x2  }
0x2f: {  	s31 =	sshll.u32 s3, $0xD;
	s3 =	sshrl.u32 s3, $0x2  }
0x30: {  	s2 =	sand.u32 $0x4000, s31;
	s1 =	sadd.s32 s3, s30  }
0x31: {  	s0 =	sor.u32 s2, s0;
	s1 =	sshll.u32 s1, $0x11  }
0x32: {  	s0 =	sor.u32 s1, s0  }
0x33: {  	s0 =	sadd.s32 $0x8F2B, s0  }
0x34: {  	[sflag:s0] =	ssyncadd.remote.s32 $0x1  }
0x35: {  	_ =	sfence.sel $0xFFFF  }
0x36: {  	[dreg:$0x0] =	wrdreg $0xFFFFFFFF;
	(pc) =	sbr.abs _section_cstart, $3  }
0x37: {  	[dreg:$0x1] =	wrdreg $0xFFFFFFFF  }
0x38: {  	_ =	task.clear_ibuf [dreg:s6], $0x2FFFF;
	_ =	strace $0x9FFFFFFF  }
0x39: {  	(tm) =	ssettm $0x7FFFFFFF  }
tec
execute0_lowered:
.L_overlay_start_1:
0x0: {  	(tag) =	ssettag $0x1  }
0x1: {  	s4 =	rddreg [dreg:$0x0]  }
0x2: {  	s0 =	rddreg [dreg:$0x1];
	_ =	strace $0x80000050;
	s3 =	srdreg.scid  }
0x3: {  	s1 =	stileid.u32;
	s6 =	simm.s32 $0x2;
	s12 =	simm.s32 $0x0  }
0x4: {  	p0 =	por $0x0, $0x0;
	s7 =	simm.s32 $0x400;
	s13 =	simm.s32 $0x0  }
.Ltmp0:
0x5: {  	s14 =	simm.s32 $0x0;
	s9 =	simm.s32 $0x0;
	(pc) =	sbr.rel .LBB1_1-.Ltmp0, $4  }
0x6: {  	s10 =	simm.s32 $0x0;
	s8 =	simm.s32 $0x0;
	s5 =	sshll.u32 s3, $0x4  }
0x7: {  	s2 =	sadd.s32 $0x11200, s4;
	s3 =	simm.s32 $0x1;
	s5 =	sand.u32 $0x10, s5  }
0x8: {  	s4 =	sadd.s32 $0x411200, s4;
	[sflag:s3] =	ssyncpa.u1 $0x0;
	s5 =	sor.u32 s1, s5  }
0x9: {  	[sflag:s6] =	ssyncpa.u1 $0x0;
	s6 =	simm.s32 $0x80;
	s11 =	smov.u32 s5  }
.LBB1_5:
0xa: {  	s15 =	sadd.s32 $0x80, s9  }
0xb: {  	s12 =	simm.s32 $0x1;
	p2 =	sgt.s32 s15, $0x3FF  }
0xc: {  	s12 =	simm.s32 @!p2 $0x0  }
0xd: {  	s16 =	sadd.s32 s12, s10  }
0xe: {  	s18 =	smov.u32 s11;
	s12 =	sadd.s32 $0x20, s11;
	p3 =	sgt.s32 s16, $0x7  }
0xf: {  	p1 =	slt.u32 s8, $0x2;
	s18 =	smov.u32 @p3 s12  }
0x10: {  	s8 =	sadd.s32 $0x1, s8;
	s15 =	simm.s32 @p2 $0x0;
	p2 =	sgt.s32 s18, $0x1F  }
0x11: {  	s18 =	smov.u32 @p2 s5;
	p2 =	sne.s32 s8, $0x42  }
.Ltmp1:
0x12: {  	s17 =	simm.s32 @!p1 $0x2;
	(pc) =	sbr.rel @!p2 .LBB1_6-.Ltmp1, $4  }
0x13: {  	s13 =	smov.u32 s10;
	_ =	swait.ge @!p1 [sflag:s17], $0x4000  }
0x14: {  	s14 =	smov.u32 s11;
	p0 =	por !p0, !p0;
	[sflag:s17] =	ssyncset.done @!p1 $0x0  }
0x15: {  	[sflag:s17] =	ssyncadd.s32 @!p1 $0xFFFFC000;
	s16 =	simm.s32 @p3 $0x0;
	s12 =	smov.u32 s9  }
0x16: {  	s9 =	smov.u32 s15;
	s10 =	smov.u32 s16;
	s11 =	smov.u32 s18  }
.LBB1_1:
0x17: {  	p1 =	sgt.u32 s8, $0x3F  }
0x18: {  	s15 =	sxor.u32 @!p1 $0xFFFFFFFF, s8;
	s16 =	sshll.u32 @!p1 s11, $0x11  }
0x19: {  	s17 =	sshll.u32 @!p1 s10, $0xE;
	s18 =	sshll.u32 @!p1 s9, $0x4;
	s16 =	sadd.s32 @!p1 s2, s16  }
0x1a: {  	s15 =	sshll.u32 @!p1 s15, $0xE;
	s18 =	sand.u32 @!p1 $0x3FF0, s18;
	s16 =	sadd.s32 @!p1 s17, s16  }
0x1b: {  	s15 =	sand.u32 @!p1 $0x4000, s15;
	s17 =	simm.s32 @!p1 $0x0;
	s16 =	sadd.s32 @!p1 s18, s16  }
0x1c: {  	[tilespmem:s15], [sflag:$0x1] =	stream.linear.gather @!p1 [hbm4b:s16+s17], $0x4000, $0x38;
	[tilespmem:$0x10000] =	vst v63  }
0x1d: {  	p1 =	seq.s32 s8, $0x0  }
0x1e: {  	p2 =	seq.s32 @!p1 s8, $0x41  }
0x1f: {  	p1 =	por p1, p2  }
.Ltmp2:
0x20: {  	_ = 	snop;
	(pc) =	sbr.rel @p1 .LBB1_5-.Ltmp2, $1  }
0x21: {  	_ =	sdelay $0x3  }
0x22: {  	s15 =	simm.s32 $0x1  }
0x23: {  	s15 =	simm.s32 @!p0 $0x0  }
0x24: {  	s15 =	sshll.u32 s15, $0xE  }
0x25: {  	s16 =	sor.u32 $0x40, s15  }
0x26: {  	v1 =	vmov s16;
	_ =	sdelay $0x1  }
0x27: {  	_ =	swait.ge [sflag:s3], $0x4000  }
0x28: {  	[sflag:s3] =	ssyncset.done $0x0  }
0x29: {  	[sflag:s3] =	ssyncadd.s32 $0xFFFFC000;
	s16 =	simm.s32 $0x0  }
0x2a: {  	s15 =	sor.u32 $0x8070, s15;
	v7 =	vld.idx.msk [tilespmem:v1+s16+$0x30 ss:$0x1], $0xffff  }
0x2b: {  	v0 =	vmov s15;
	v8 =	vld.idx.msk [tilespmem:v1+s16+$0xFFFFFFC0 ss:$0x1], $0xffff  }
0x2c: {  	v6 =	vld.idx.msk [tilespmem:v1+s16+$0xFFFFFFD0 ss:$0x1], $0xffff  }
0x2d: {  	v4 =	vld.idx.msk [tilespmem:v1+s16+$0xFFFFFFE0 ss:$0x1], $0xffff  }
0x2e: {  	v2 =	vld.idx.msk [tilespmem:v1+s16+$0xFFFFFFF0 ss:$0x1], $0xffff  }
0x2f: {  	s31 =	sshll.u32 s8, $0xE;
	v3 =	vld.idx.msk [tilespmem:v1+s16+$0x0 ss:$0x1], $0xffff  }
0x30: {  	s15 =	sand.u32 $0x4000, s31;
	v5 =	vld.idx.msk [tilespmem:v1+s16+$0x10 ss:$0x1], $0xffff;
	[tilespmem:v0+s16+$0x0 ss:$0x1] =	vst.idx.msk $0xffff, v7  }
0x31: {  	s17 =	simm.s32 $0x80;
	s18 =	simm.s32 $0x400;
	s15 =	sor.u32 $0x8000, s15;
	[tilespmem:v0+s16+$0xFFFFFF90 ss:$0x1] =	vst.idx.msk $0xffff, v8;
	v7 =	vld.idx.msk [tilespmem:v1+s16+$0x20 ss:$0x1], $0xffff  }
.LBB1_3:
0x32: {  	p1 =	sne.s32 s18, $0xFE00;
	v8 =	vld.idx.msk [tilespmem:v1+s17+$0x30 ss:$0x1], $0xffff;
	[tilespmem:v0+s16+$0xFFFFFFA0 ss:$0x1] =	vst.idx.msk $0xffff, v6  }
0x33: {  	v9 =	vld.idx.msk [tilespmem:v1+s17+$0xFFFFFFC0 ss:$0x1], $0xffff;
	[tilespmem:v0+s16+$0xFFFFFFB0 ss:$0x1] =	vst.idx.msk $0xffff, v4  }
0x34: {  	v6 =	vld.idx.msk [tilespmem:v1+s17+$0xFFFFFFD0 ss:$0x1], $0xffff;
	[tilespmem:v0+s16+$0xFFFFFFC0 ss:$0x1] =	vst.idx.msk $0xffff, v2  }
.Ltmp3:
0x35: {  	v4 =	vld.idx.msk [tilespmem:v1+s17+$0xFFFFFFE0 ss:$0x1], $0xffff;
	[tilespmem:v0+s16+$0xFFFFFFD0 ss:$0x1] =	vst.idx.msk $0xffff, v3;
	(pc) =	sbr.rel @p1 .LBB1_3-.Ltmp3, $4  }
0x36: {  	v2 =	vld.idx.msk [tilespmem:v1+s17+$0xFFFFFFF0 ss:$0x1], $0xffff;
	[tilespmem:v0+s16+$0xFFFFFFE0 ss:$0x1] =	vst.idx.msk $0xffff, v5  }
0x37: {  	v3 =	vld.idx.msk [tilespmem:v1+s17+$0x0 ss:$0x1], $0xffff;
	[tilespmem:v0+s16+$0xFFFFFFF0 ss:$0x1] =	vst.idx.msk $0xffff, v7;
	s16 =	smov.u32 s17  }
0x38: {  	v5 =	vld.idx.msk [tilespmem:v1+s16+$0x10 ss:$0x1], $0xffff;
	[tilespmem:v0+s16+$0x0 ss:$0x1] =	vst.idx.msk $0xffff, v8  }
0x39: {  	s17 =	sshra.s32 s18, $0x2;
	s18 =	sadd.s32 $0x200, s18;
	[tilespmem:v0+s16+$0xFFFFFF90 ss:$0x1] =	vst.idx.msk $0xffff, v9;
	v7 =	vld.idx.msk [tilespmem:v1+s16+$0x20 ss:$0x1], $0xffff  }
0x3a: {  	_ =	sdelay $0x3  }
0x3b: {  	[tilespmem:v0+s16+$0xFFFFFFA0 ss:$0x1] =	vst.idx.msk $0xffff, v6  }
0x3c: {  	v56 =	vld.idx.msk [tilespmem:v1+s17+$0x30 ss:$0x1], $0xffff;
	[tilespmem:v0+s16+$0xFFFFFFB0 ss:$0x1] =	vst.idx.msk $0xffff, v4  }
0x3d: {  	v57 =	vld.idx.msk [tilespmem:v1+s17+$0xFFFFFFC0 ss:$0x1], $0xffff;
	[tilespmem:v0+s16+$0xFFFFFFC0 ss:$0x1] =	vst.idx.msk $0xffff, v2  }
0x3e: {  	v58 =	vld.idx.msk [tilespmem:v1+s17+$0xFFFFFFD0 ss:$0x1], $0xffff;
	[tilespmem:v0+s16+$0xFFFFFFD0 ss:$0x1] =	vst.idx.msk $0xffff, v3  }
0x3f: {  	v59 =	vld.idx.msk [tilespmem:v1+s17+$0xFFFFFFE0 ss:$0x1], $0xffff;
	[tilespmem:v0+s16+$0xFFFFFFE0 ss:$0x1] =	vst.idx.msk $0xffff, v5  }
0x40: {  	v60 =	vld.idx.msk [tilespmem:v1+s17+$0xFFFFFFF0 ss:$0x1], $0xffff;
	[tilespmem:v0+s16+$0xFFFFFFF0 ss:$0x1] =	vst.idx.msk $0xffff, v7  }
0x41: {  	v61 =	vld.idx.msk [tilespmem:v1+s17+$0x0 ss:$0x1], $0xffff;
	[tilespmem:v0+s17+$0x0 ss:$0x1] =	vst.idx.msk $0xffff, v56  }
0x42: {  	v62 =	vld.idx.msk [tilespmem:v1+s17+$0x10 ss:$0x1], $0xffff;
	[tilespmem:v0+s17+$0xFFFFFF90 ss:$0x1] =	vst.idx.msk $0xffff, v57  }
0x43: {  	v63 =	vld.idx.msk [tilespmem:v1+s17+$0x20 ss:$0x1], $0xffff;
	[tilespmem:v0+s17+$0xFFFFFFA0 ss:$0x1] =	vst.idx.msk $0xffff, v58  }
0x44: {  	[tilespmem:v0+s17+$0xFFFFFFB0 ss:$0x1] =	vst.idx.msk $0xffff, v59  }
.Ltmp4:
0x45: {  	s14 =	sshll.u32 s14, $0x11;
	[tilespmem:v0+s17+$0xFFFFFFC0 ss:$0x1] =	vst.idx.msk $0xffff, v60;
	(pc) =	sbr.rel .LBB1_5-.Ltmp4, $4  }
0x46: {  	s12 =	sshll.u32 s12, $0x7;
	s13 =	sshll.u32 s13, $0x4;
	s14 =	sadd.s32 s4, s14;
	[tilespmem:v0+s17+$0xFFFFFFD0 ss:$0x1] =	vst.idx.msk $0xffff, v61  }
0x47: {  	s13 =	sand.u32 $0x70, s13;
	s12 =	sadd.s32 s12, s14;
	[tilespmem:v0+s17+$0xFFFFFFE0 ss:$0x1] =	vst.idx.msk $0xffff, v62  }
0x48: {  	s12 =	sadd.s32 s13, s12;
	[tilespmem:v0+s17+$0xFFFFFFF0 ss:$0x1] =	vst.idx.msk $0xffff, v63  }
0x49: {  	[hbm4b:s12+s6] =	stream.strided.scatter [tilespmem:s15], [sflag:$0x2], $0x4000, s7, s6, $0x38;
	[tilespmem:$0x10000] =	vst v63  }
.LBB1_6:
0x4a: {  	_ =	sfence.sel $0x180000  }
0x4b: {  	s2 =	simm.s32 $0x1;
	[bflag:$0x0] =	sbarrier.arrive $0xFFFF  }
0x4c: {  	s31 =	simm.s32 $0x2;
	[sflag:s2] =	ssyncpa.u1 $0x1  }
0x4d: {  	[sflag:s31] =	ssyncpa.u1 $0x1  }
0x4e: {  	p0 =	sne.s32 s1, $0x0;
	_ =	strace $0x90000050  }
0x4f: {  	s0 =	sadd.s32 @!p0 $0x100000, s0;
	[bflag:$0x2] =	sbarrier.arrive $0xFFFF  }
0x50: {  	[sflag:s0] =	ssyncadd.tile.s32 @!p0 $0x1;
	_ =	shalt  }
.Lfunc_end1:
_tile_overlayer_lowered:
.L_overlay_start_2:
0x51: {  	(tag) =	ssettag $0x2  }
0x52: {  	s0 =	rddreg [dreg:$0x0];
	s2 =	stileid.u32  }
0x53: {  	s1 =	rddreg [dreg:$0x1];
	p0 =	sne.s32 s2, $0x0  }
0x54: {  	s3 =	rddreg [dreg:$0x2];
	[bflag:$0x3] =	sbarrier.arrive $0xFFFF;
	s2 =	simm.s32 @!p0 $0x1C01  }
0x55: {  	[timem:s3], [sflag:s2] =	dma.local @!p0 [hbm:s0], s1  }
0x56: {  	s0 =	simm.s32 @!p0 $0x1  }
0x57: {  	_ =	swait.ge @!p0 [sflag:s0], s1  }
0x58: {  	s1 =	ssub.s32 @!p0 $0x0, s1;
	[sflag:s0] =	ssyncset.done @!p0 $0x0  }
0x59: {  	[sflag:s0] =	ssyncadd.s32 @!p0 s1  }
0x5a: {  	[bflag:$0x3] =	sbarrier.arrive $0xFFFF  }
0x5b: {  	_ =	shalt  }

</sc_bundles>
